<compile_context>
chip_gen: v7x
topology: tpu7x:2x2x1
jax: 0.10.2.dev20260603
libtpu: 0.0.44.dev20260713+nightly
codegen_flags: <defaults>
</compile_context>

<pallas_src>
import functools

import jax
import jax.numpy as jnp
from jax import lax
from jax.experimental import pallas as pl
from jax.experimental.pallas import tpu as pltpu
from jax.experimental.pallas import tpu_sc as plsc

_NC = 2
_NS = 16
_NW = _NC * _NS
_L = 16
_UNROLL = 5
_HUNROLL = 25


def kernel(x, edge_index, W, b):
    N, D = x.shape
    E = edge_index.shape[1]
    EPW = E // _NW
    assert EPW * _NW == E and N % _L == 0
    assert EPW % (_L * _UNROLL) == 0 and EPW % (_L * _HUNROLL) == 0

    edges = edge_index.astype(jnp.int32).reshape(2 * E)
    mesh = plsc.VectorSubcoreMesh(core_axis_name="c", subcore_axis_name="s")
    scp = pltpu.CompilerParams(needs_layout_passes=False)

    @functools.partial(
        pl.kernel,
        out_type=jax.ShapeDtypeStruct((_NW, N), jnp.float32),
        mesh=mesh,
        scratch_types=[
            pltpu.VMEM((EPW,), jnp.int32),
            pltpu.VMEM((N,), jnp.float32),
            pltpu.VMEM((_L,), jnp.float32),
            pltpu.SemaphoreType.DMA,
        ],
        compiler_params=scp,
    )
    def _deg(edge_hbm, cnt_hbm, idx_v, acc_v, ones_v, sem):
        c = lax.axis_index("c")
        s = lax.axis_index("s")
        w = c * _NS + s
        cp = pltpu.async_copy(edge_hbm.at[pl.ds(E + w * EPW, EPW)],
                              idx_v, sem)

        def fz(i, carry):
            acc_v[pl.ds(i * _L, _L)] = jnp.zeros((_L,), jnp.float32)
            return carry

        lax.fori_loop(0, N // _L, fz, 0)
        ones_v[...] = jnp.full((_L,), 1.0, jnp.float32)
        cp.wait()

        def body(i, carry):
            ones = ones_v[...]
            base = i * (_L * _HUNROLL)
            idxs = [idx_v[pl.ds(base + u * _L, _L)] for u in range(_HUNROLL)]
            for idx in idxs:
                plsc.addupdate_scatter(acc_v, [idx], ones)
            return carry

        lax.fori_loop(0, EPW // (_L * _HUNROLL), body, 0)
        pltpu.sync_copy(acc_v, cnt_hbm.at[w])

    def _tc_mv(x_ref, w_ref, h_ref):
        h_ref[...] = jnp.dot(x_ref[...], w_ref[...],
                             preferred_element_type=jnp.float32)[:, 0]

    h1 = pl.pallas_call(
        _tc_mv,
        out_shape=jax.ShapeDtypeStruct((N,), jnp.float32),
    )(x, W)

    cnt = _deg(edges)

    def _tc_pre(h_ref, cnt_ref, dis_ref, g_ref):
        deg = jnp.sum(cnt_ref[...], axis=0) + 1.0
        dis = lax.rsqrt(deg)
        g_ref[...] = h_ref[...] * dis
        dis_ref[...] = dis

    dis1, g1 = pl.pallas_call(
        _tc_pre,
        out_shape=(
            jax.ShapeDtypeStruct((N,), jnp.float32),
            jax.ShapeDtypeStruct((N,), jnp.float32),
        ),
    )(h1, cnt)

    @functools.partial(
        pl.kernel,
        out_type=jax.ShapeDtypeStruct((_NW, N), jnp.float32),
        mesh=mesh,
        scratch_types=[
            pltpu.VMEM((EPW,), jnp.int32),
            pltpu.VMEM((EPW,), jnp.int32),
            pltpu.VMEM((N,), jnp.float32),
            pltpu.VMEM((N,), jnp.float32),
            pltpu.SemaphoreType.DMA,
        ],
        compiler_params=scp,
    )
    def _agg(edge_hbm, g_hbm, q_hbm, sidx_v, didx_v, g_v, acc_v, sem):
        c = lax.axis_index("c")
        s = lax.axis_index("s")
        w = c * _NS + s
        cp1 = pltpu.async_copy(edge_hbm.at[pl.ds(w * EPW, EPW)],
                               sidx_v, sem)
        cp2 = pltpu.async_copy(edge_hbm.at[pl.ds(E + w * EPW, EPW)],
                               didx_v, sem)
        cp3 = pltpu.async_copy(g_hbm, g_v, sem)

        def fz(i, carry):
            acc_v[pl.ds(i * _L, _L)] = jnp.zeros((_L,), jnp.float32)
            return carry

        lax.fori_loop(0, N // _L, fz, 0)
        cp1.wait()
        cp2.wait()
        cp3.wait()

        def body(i, carry):
            base = i * (_L * _UNROLL)
            sidxs = [sidx_v[pl.ds(base + u * _L, _L)]
                     for u in range(_UNROLL)]
            didxs = [didx_v[pl.ds(base + u * _L, _L)]
                     for u in range(_UNROLL)]
            vals = [plsc.load_gather(g_v, [si]) for si in sidxs]
            for di, v in zip(didxs, vals):
                plsc.addupdate_scatter(acc_v, [di], v)
            return carry

        lax.fori_loop(0, EPW // (_L * _UNROLL), body, 0)
        pltpu.sync_copy(acc_v, q_hbm.at[w])

    q = _agg(edges, g1)

    def _tc_post(dis_ref, g_ref, q_ref, b_ref, out_ref):
        tot = g_ref[...] + jnp.sum(q_ref[...], axis=0)
        out_ref[...] = dis_ref[...] * tot + b_ref[0]

    out1 = pl.pallas_call(
        _tc_post,
        out_shape=jax.ShapeDtypeStruct((N,), jnp.float32),
    )(dis1, g1, q, b)

    return out1[:, None]

# --- scband reference (transcript-rebuilt; emitter-appended) ---
"""Pipeline reference for scband-attention-score-85693187489968 (READ-ONLY COPY).

The authoritative reference and input builder live on the scoring server;
editing this copy changes nothing except your own understanding.
"""

import jax, jax.numpy as jnp
import numpy as np

N = 10000
E = 320000
D = 128

def setup_inputs(seed: int = 0):
    key = jax.random.key(seed)
    k1, k2, k3, k4 = jax.random.split(key, 4)
    x = jax.random.normal(k1, (N, D), dtype=jnp.float32)
    edge_index = jax.random.randint(k2, (2, E), 0, N)
    W = jax.random.normal(k3, (D, 1), dtype=jnp.float32) * (1.0 / np.sqrt(D))
    b = jnp.zeros((1,), dtype=jnp.float32)
    return {"x": x, "edge_index": edge_index, "W": W, "b": b}

def reference(x, edge_index, W, b):
    # GCNConv(in_channels, 1): out = D^{-1/2} (A + I) D^{-1/2} (x @ W) + b
    n = x.shape[0]
    loop = jnp.arange(n, dtype=edge_index.dtype)
    src = jnp.concatenate([edge_index[0], loop])
    dst = jnp.concatenate([edge_index[1], loop])
    ones = jnp.ones(dst.shape[0], dtype=x.dtype)
    deg = jnp.zeros((n,), dtype=x.dtype).at[dst].add(ones)
    deg_inv_sqrt = jnp.where(deg > 0, 1.0 / jnp.sqrt(deg), 0.0)
    norm = deg_inv_sqrt[src] * deg_inv_sqrt[dst]
    h = x @ W  # [N, 1]
    msg = h[src] * norm[:, None]
    out = jnp.zeros((n, h.shape[1]), dtype=x.dtype).at[dst].add(msg)
    score = out + b
    return score

if __name__ == "__main__":
    import jax
    _d = setup_inputs()
    print(jax.jit(kernel)(*tuple(_d.values())))

</pallas_src>

<mosaic_0001>
#map = affine_map<(d0, d1) -> (0)>
#map1 = affine_map<(d0, d1) -> (0, 0)>
module attributes {stable_mosaic.version = 14 : i64} {
  func.func @_agg(%arg0: i32, %arg1: i32, %arg2: memref<640000xi32, #tpu.memory_space<hbm>>, %arg3: memref<10000xf32, #tpu.memory_space<hbm>>, %arg4: memref<32x10000xf32, #tpu.memory_space<hbm>>, %arg5: memref<10000xi32, #tpu.memory_space<vmem>>, %arg6: memref<10000xi32, #tpu.memory_space<vmem>>, %arg7: memref<10000xf32, #tpu.memory_space<vmem>>, %arg8: memref<10000xf32, #tpu.memory_space<vmem>>, %arg9: memref<!tpu.dma_semaphore, #tpu.memory_space<semaphore_mem>>) attributes {dimension_semantics = [#tpu.dimension_semantics<core_parallel>, #tpu.dimension_semantics<subcore_parallel>], iteration_bounds = array<i64: 2, 16>, scalar_prefetch = 0 : i64, scratch_operands = 5 : i64, tpu.core_type = #tpu.core_type<sc_vector_subcore>, window_params = [{transform_indices = #map}, {transform_indices = #map}, {transform_indices = #map1}]} {
    %mul3A = arith.constant 16 : i32
    %mul3A_0 = arith.muli %arg0, %mul3A : i32
    %add3A = arith.addi %mul3A_0, %arg1 : i32
    %mul3A_1 = arith.constant 10000 : i32
    %mul3A_2 = arith.muli %add3A, %mul3A_1 : i32
    %dma_start3A = tpu.memref_slice %arg2[%mul3A_2] : memref<640000xi32, #tpu.memory_space<hbm>> -> memref<10000xi32, #tpu.memory_space<hbm>>
    %dma_start3A_3 = tpu.memref_slice %arg2[%mul3A_2] : memref<640000xi32, #tpu.memory_space<hbm>> -> memref<10000xi32, #tpu.memory_space<hbm>>
    tpu.enqueue_dma source(%dma_start3A_3 : memref<10000xi32, #tpu.memory_space<hbm>>) target(%arg5 : memref<10000xi32, #tpu.memory_space<vmem>>) target_semaphore(%arg9 : memref<!tpu.dma_semaphore, #tpu.memory_space<semaphore_mem>>)
    %mul3A_4 = arith.constant 10000 : i32
    %mul3A_5 = arith.muli %add3A, %mul3A_4 : i32
    %add3A_6 = arith.constant 320000 : i32
    %add3A_7 = arith.addi %add3A_6, %mul3A_5 : i32
    %dma_start3A_8 = tpu.memref_slice %arg2[%add3A_7] : memref<640000xi32, #tpu.memory_space<hbm>> -> memref<10000xi32, #tpu.memory_space<hbm>>
    %dma_start3A_9 = tpu.memref_slice %arg2[%add3A_7] : memref<640000xi32, #tpu.memory_space<hbm>> -> memref<10000xi32, #tpu.memory_space<hbm>>
    tpu.enqueue_dma source(%dma_start3A_9 : memref<10000xi32, #tpu.memory_space<hbm>>) target(%arg6 : memref<10000xi32, #tpu.memory_space<vmem>>) target_semaphore(%arg9 : memref<!tpu.dma_semaphore, #tpu.memory_space<semaphore_mem>>)
    tpu.enqueue_dma source(%arg3 : memref<10000xf32, #tpu.memory_space<hbm>>) target(%arg7 : memref<10000xf32, #tpu.memory_space<vmem>>) target_semaphore(%arg9 : memref<!tpu.dma_semaphore, #tpu.memory_space<semaphore_mem>>)
    %scan3A = arith.constant 0 : i32
    %scan3A_10 = arith.constant 0 : i32
    %scan3A_11 = arith.constant 625 : i32
    %scan3A_12 = arith.addi %scan3A_10, %scan3A_11 : i32
    %scan3A_13 = arith.constant 1 : i32
    scf.for %scan3A_24 = %scan3A_10 to %scan3A_12 step %scan3A_13  : i32 {
      %broadcast_in_dim3A = arith.constant 0.000000e+00 : f32
      %broadcast_in_dim3A_25 = vector.broadcast %broadcast_in_dim3A : f32 to vector<16xf32>
      %mul3A_26 = arith.constant 16 : i32
      %mul3A_27 = arith.muli %scan3A_24, %mul3A_26 : i32
      %swap3A = arith.index_cast %mul3A_27 : i32 to index
      %swap3A_28 = tpu.vector_load %arg8[%swap3A] {strides = array<i32>} : memref<10000xf32, #tpu.memory_space<vmem>>, vector<16xf32>,
      tpu.vector_store %arg8[%swap3A], %broadcast_in_dim3A_25 {strides = array<i32>} : memref<10000xf32, #tpu.memory_space<vmem>>, vector<16xf32>,
    }
    %scan3A_14 = arith.constant 625 : i32
    %dma_wait3A = tpu.memref_slice %arg2[%mul3A_2] : memref<640000xi32, #tpu.memory_space<hbm>> -> memref<10000xi32, #tpu.memory_space<hbm>>
    %dma_wait3A_15 = tpu.memref_slice %arg2[%mul3A_2] : memref<640000xi32, #tpu.memory_space<hbm>> -> memref<10000xi32, #tpu.memory_space<hbm>>
    tpu.wait_dma2 semaphore(%arg9 : memref<!tpu.dma_semaphore, #tpu.memory_space<semaphore_mem>>) src(%dma_wait3A_15 : memref<10000xi32, #tpu.memory_space<hbm>>) dst(%arg5 : memref<10000xi32, #tpu.memory_space<vmem>>)
    %dma_wait3A_16 = tpu.memref_slice %arg2[%add3A_7] : memref<640000xi32, #tpu.memory_space<hbm>> -> memref<10000xi32, #tpu.memory_space<hbm>>
    %dma_wait3A_17 = tpu.memref_slice %arg2[%add3A_7] : memref<640000xi32, #tpu.memory_space<hbm>> -> memref<10000xi32, #tpu.memory_space<hbm>>
    tpu.wait_dma2 semaphore(%arg9 : memref<!tpu.dma_semaphore, #tpu.memory_space<semaphore_mem>>) src(%dma_wait3A_17 : memref<10000xi32, #tpu.memory_space<hbm>>) dst(%arg6 : memref<10000xi32, #tpu.memory_space<vmem>>)
    tpu.wait_dma2 semaphore(%arg9 : memref<!tpu.dma_semaphore, #tpu.memory_space<semaphore_mem>>) src(%arg3 : memref<10000xf32, #tpu.memory_space<hbm>>) dst(%arg7 : memref<10000xf32, #tpu.memory_space<vmem>>)
    %scan3A_18 = arith.constant 0 : i32
    %scan3A_19 = arith.constant 0 : i32
    %scan3A_20 = arith.constant 125 : i32
    %scan3A_21 = arith.addi %scan3A_19, %scan3A_20 : i32
    %scan3A_22 = arith.constant 1 : i32
    scf.for %scan3A_24 = %scan3A_19 to %scan3A_21 step %scan3A_22  : i32 {
      %mul3A_25 = arith.constant 80 : i32
      %mul3A_26 = arith.muli %scan3A_24, %mul3A_25 : i32
      %add3A_27 = arith.constant 0 : i32
      %add3A_28 = arith.addi %mul3A_26, %add3A_27 : i32
      %get3A = arith.index_cast %add3A_28 : i32 to index
      %get3A_29 = tpu.vector_load %arg5[%get3A] {strides = array<i32>} : memref<10000xi32, #tpu.memory_space<vmem>>, vector<16xi32>,
      %add3A_30 = arith.constant 16 : i32
      %add3A_31 = arith.addi %mul3A_26, %add3A_30 : i32
      %get3A_32 = arith.index_cast %add3A_31 : i32 to index
      %get3A_33 = tpu.vector_load %arg5[%get3A_32] {strides = array<i32>} : memref<10000xi32, #tpu.memory_space<vmem>>, vector<16xi32>,
      %add3A_34 = arith.constant 32 : i32
      %add3A_35 = arith.addi %mul3A_26, %add3A_34 : i32
      %get3A_36 = arith.index_cast %add3A_35 : i32 to index
      %get3A_37 = tpu.vector_load %arg5[%get3A_36] {strides = array<i32>} : memref<10000xi32, #tpu.memory_space<vmem>>, vector<16xi32>,
      %add3A_38 = arith.constant 48 : i32
      %add3A_39 = arith.addi %mul3A_26, %add3A_38 : i32
      %get3A_40 = arith.index_cast %add3A_39 : i32 to index
      %get3A_41 = tpu.vector_load %arg5[%get3A_40] {strides = array<i32>} : memref<10000xi32, #tpu.memory_space<vmem>>, vector<16xi32>,
      %add3A_42 = arith.constant 64 : i32
      %add3A_43 = arith.addi %mul3A_26, %add3A_42 : i32
      %get3A_44 = arith.index_cast %add3A_43 : i32 to index
      %get3A_45 = tpu.vector_load %arg5[%get3A_44] {strides = array<i32>} : memref<10000xi32, #tpu.memory_space<vmem>>, vector<16xi32>,
      %add3A_46 = arith.constant 0 : i32
      %add3A_47 = arith.addi %mul3A_26, %add3A_46 : i32
      %get3A_48 = arith.index_cast %add3A_47 : i32 to index
      %get3A_49 = tpu.vector_load %arg6[%get3A_48] {strides = array<i32>} : memref<10000xi32, #tpu.memory_space<vmem>>, vector<16xi32>,
      %add3A_50 = arith.constant 16 : i32
      %add3A_51 = arith.addi %mul3A_26, %add3A_50 : i32
      %get3A_52 = arith.index_cast %add3A_51 : i32 to index
      %get3A_53 = tpu.vector_load %arg6[%get3A_52] {strides = array<i32>} : memref<10000xi32, #tpu.memory_space<vmem>>, vector<16xi32>,
      %add3A_54 = arith.constant 32 : i32
      %add3A_55 = arith.addi %mul3A_26, %add3A_54 : i32
      %get3A_56 = arith.index_cast %add3A_55 : i32 to index
      %get3A_57 = tpu.vector_load %arg6[%get3A_56] {strides = array<i32>} : memref<10000xi32, #tpu.memory_space<vmem>>, vector<16xi32>,
      %add3A_58 = arith.constant 48 : i32
      %add3A_59 = arith.addi %mul3A_26, %add3A_58 : i32
      %get3A_60 = arith.index_cast %add3A_59 : i32 to index
      %get3A_61 = tpu.vector_load %arg6[%get3A_60] {strides = array<i32>} : memref<10000xi32, #tpu.memory_space<vmem>>, vector<16xi32>,
      %add3A_62 = arith.constant 64 : i32
      %add3A_63 = arith.addi %mul3A_26, %add3A_62 : i32
      %get3A_64 = arith.index_cast %add3A_63 : i32 to index
      %get3A_65 = tpu.vector_load %arg6[%get3A_64] {strides = array<i32>} : memref<10000xi32, #tpu.memory_space<vmem>>, vector<16xi32>,
      %gather3A = tpu.vector_load_idx %arg7[%get3A_29] : memref<10000xf32, #tpu.memory_space<vmem>>[vector<16xi32>], vector<16xf32>,
      %gather3A_66 = tpu.vector_load_idx %arg7[%get3A_33] : memref<10000xf32, #tpu.memory_space<vmem>>[vector<16xi32>], vector<16xf32>,
      %gather3A_67 = tpu.vector_load_idx %arg7[%get3A_37] : memref<10000xf32, #tpu.memory_space<vmem>>[vector<16xi32>], vector<16xf32>,
      %gather3A_68 = tpu.vector_load_idx %arg7[%get3A_41] : memref<10000xf32, #tpu.memory_space<vmem>>[vector<16xi32>], vector<16xf32>,
      %gather3A_69 = tpu.vector_load_idx %arg7[%get3A_45] : memref<10000xf32, #tpu.memory_space<vmem>>[vector<16xi32>], vector<16xf32>,
      tpu.vector_store_idx %arg8[%get3A_49], %gather3A {add = true} : memref<10000xf32, #tpu.memory_space<vmem>>[vector<16xi32>], vector<16xf32>,
      tpu.vector_store_idx %arg8[%get3A_53], %gather3A_66 {add = true} : memref<10000xf32, #tpu.memory_space<vmem>>[vector<16xi32>], vector<16xf32>,
      tpu.vector_store_idx %arg8[%get3A_57], %gather3A_67 {add = true} : memref<10000xf32, #tpu.memory_space<vmem>>[vector<16xi32>], vector<16xf32>,
      tpu.vector_store_idx %arg8[%get3A_61], %gather3A_68 {add = true} : memref<10000xf32, #tpu.memory_space<vmem>>[vector<16xi32>], vector<16xf32>,
      tpu.vector_store_idx %arg8[%get3A_65], %gather3A_69 {add = true} : memref<10000xf32, #tpu.memory_space<vmem>>[vector<16xi32>], vector<16xf32>,
    }
    %scan3A_23 = arith.constant 125 : i32
    "tpu.region"() ({
      %run_scoped3A = tpu.sem_alloc : memref<!tpu.dma_semaphore, #tpu.memory_space<semaphore_mem>>
      %dma_start3A_24 = arith.constant 0 : i32
      %dma_start3A_25 = tpu.memref_slice %arg4[%add3A, %dma_start3A_24] : memref<32x10000xf32, #tpu.memory_space<hbm>> -> memref<1x10000xf32, #tpu.memory_space<hbm>>
      %dma_start3A_26 = tpu.memref_squeeze %dma_start3A_25 : memref<1x10000xf32, #tpu.memory_space<hbm>> -> memref<10000xf32, #tpu.memory_space<hbm>>
      %dma_start3A_27 = arith.constant 0 : i32
      %dma_start3A_28 = tpu.memref_slice %arg4[%add3A, %dma_start3A_27] : memref<32x10000xf32, #tpu.memory_space<hbm>> -> memref<1x10000xf32, #tpu.memory_space<hbm>>
      %dma_start3A_29 = tpu.memref_squeeze %dma_start3A_28 : memref<1x10000xf32, #tpu.memory_space<hbm>> -> memref<10000xf32, #tpu.memory_space<hbm>>
      tpu.enqueue_dma source(%arg8 : memref<10000xf32, #tpu.memory_space<vmem>>) target(%dma_start3A_29 : memref<10000xf32, #tpu.memory_space<hbm>>) target_semaphore(%run_scoped3A : memref<!tpu.dma_semaphore, #tpu.memory_space<semaphore_mem>>)
      %dma_wait3A_30 = arith.constant 0 : i32
      %dma_wait3A_31 = tpu.memref_slice %arg4[%add3A, %dma_wait3A_30] : memref<32x10000xf32, #tpu.memory_space<hbm>> -> memref<1x10000xf32, #tpu.memory_space<hbm>>
      %dma_wait3A_32 = tpu.memref_squeeze %dma_wait3A_31 : memref<1x10000xf32, #tpu.memory_space<hbm>> -> memref<10000xf32, #tpu.memory_space<hbm>>
      %dma_wait3A_33 = arith.constant 0 : i32
      %dma_wait3A_34 = tpu.memref_slice %arg4[%add3A, %dma_wait3A_33] : memref<32x10000xf32, #tpu.memory_space<hbm>> -> memref<1x10000xf32, #tpu.memory_space<hbm>>
      %dma_wait3A_35 = tpu.memref_squeeze %dma_wait3A_34 : memref<1x10000xf32, #tpu.memory_space<hbm>> -> memref<10000xf32, #tpu.memory_space<hbm>>
      tpu.wait_dma2 semaphore(%run_scoped3A : memref<!tpu.dma_semaphore, #tpu.memory_space<semaphore_mem>>) src(%arg8 : memref<10000xf32, #tpu.memory_space<vmem>>) dst(%dma_wait3A_35 : memref<10000xf32, #tpu.memory_space<hbm>>)
      tpu.yield
    }) : () -> ()
    return
  }
}

#map = affine_map<(d0, d1) -> (0)>
#map1 = affine_map<(d0, d1) -> (0, 0)>
module attributes {stable_mosaic.version = 14 : i64} {
  func.func @_deg(%arg0: i32, %arg1: i32, %arg2: memref<640000xi32, #tpu.memory_space<hbm>>, %arg3: memref<32x10000xf32, #tpu.memory_space<hbm>>, %arg4: memref<10000xi32, #tpu.memory_space<vmem>>, %arg5: memref<10000xf32, #tpu.memory_space<vmem>>, %arg6: memref<16xf32, #tpu.memory_space<vmem>>, %arg7: memref<!tpu.dma_semaphore, #tpu.memory_space<semaphore_mem>>) attributes {dimension_semantics = [#tpu.dimension_semantics<core_parallel>, #tpu.dimension_semantics<subcore_parallel>], iteration_bounds = array<i64: 2, 16>, scalar_prefetch = 0 : i64, scratch_operands = 4 : i64, tpu.core_type = #tpu.core_type<sc_vector_subcore>, window_params = [{transform_indices = #map}, {transform_indices = #map1}]} {
    %mul3A = arith.constant 16 : i32
    %mul3A_0 = arith.muli %arg0, %mul3A : i32
    %add3A = arith.addi %mul3A_0, %arg1 : i32
    %mul3A_1 = arith.constant 10000 : i32
    %mul3A_2 = arith.muli %add3A, %mul3A_1 : i32
    %add3A_3 = arith.constant 320000 : i32
    %add3A_4 = arith.addi %add3A_3, %mul3A_2 : i32
    %dma_start3A = tpu.memref_slice %arg2[%add3A_4] : memref<640000xi32, #tpu.memory_space<hbm>> -> memref<10000xi32, #tpu.memory_space<hbm>>
    %dma_start3A_5 = tpu.memref_slice %arg2[%add3A_4] : memref<640000xi32, #tpu.memory_space<hbm>> -> memref<10000xi32, #tpu.memory_space<hbm>>
    tpu.enqueue_dma source(%dma_start3A_5 : memref<10000xi32, #tpu.memory_space<hbm>>) target(%arg4 : memref<10000xi32, #tpu.memory_space<vmem>>) target_semaphore(%arg7 : memref<!tpu.dma_semaphore, #tpu.memory_space<semaphore_mem>>)
    %scan3A = arith.constant 0 : i32
    %scan3A_6 = arith.constant 0 : i32
    %scan3A_7 = arith.constant 625 : i32
    %scan3A_8 = arith.addi %scan3A_6, %scan3A_7 : i32
    %scan3A_9 = arith.constant 1 : i32
    scf.for %scan3A_20 = %scan3A_6 to %scan3A_8 step %scan3A_9  : i32 {
      %broadcast_in_dim3A_21 = arith.constant 0.000000e+00 : f32
      %broadcast_in_dim3A_22 = vector.broadcast %broadcast_in_dim3A_21 : f32 to vector<16xf32>
      %mul3A_23 = arith.constant 16 : i32
      %mul3A_24 = arith.muli %scan3A_20, %mul3A_23 : i32
      %swap3A_25 = arith.index_cast %mul3A_24 : i32 to index
      %swap3A_26 = tpu.vector_load %arg5[%swap3A_25] {strides = array<i32>} : memref<10000xf32, #tpu.memory_space<vmem>>, vector<16xf32>,
      tpu.vector_store %arg5[%swap3A_25], %broadcast_in_dim3A_22 {strides = array<i32>} : memref<10000xf32, #tpu.memory_space<vmem>>, vector<16xf32>,
    }
    %scan3A_10 = arith.constant 625 : i32
    %broadcast_in_dim3A = arith.constant 1.000000e+00 : f32
    %broadcast_in_dim3A_11 = vector.broadcast %broadcast_in_dim3A : f32 to vector<16xf32>
    %swap3A = arith.constant 0 : index
    %swap3A_12 = tpu.vector_load %arg6[%swap3A] {strides = array<i32>} : memref<16xf32, #tpu.memory_space<vmem>>, vector<16xf32>,
    tpu.vector_store %arg6[%swap3A], %broadcast_in_dim3A_11 {strides = array<i32>} : memref<16xf32, #tpu.memory_space<vmem>>, vector<16xf32>,
    %dma_wait3A = tpu.memref_slice %arg2[%add3A_4] : memref<640000xi32, #tpu.memory_space<hbm>> -> memref<10000xi32, #tpu.memory_space<hbm>>
    %dma_wait3A_13 = tpu.memref_slice %arg2[%add3A_4] : memref<640000xi32, #tpu.memory_space<hbm>> -> memref<10000xi32, #tpu.memory_space<hbm>>
    tpu.wait_dma2 semaphore(%arg7 : memref<!tpu.dma_semaphore, #tpu.memory_space<semaphore_mem>>) src(%dma_wait3A_13 : memref<10000xi32, #tpu.memory_space<hbm>>) dst(%arg4 : memref<10000xi32, #tpu.memory_space<vmem>>)
    %scan3A_14 = arith.constant 0 : i32
    %scan3A_15 = arith.constant 0 : i32
    %scan3A_16 = arith.constant 25 : i32
    %scan3A_17 = arith.addi %scan3A_15, %scan3A_16 : i32
    %scan3A_18 = arith.constant 1 : i32
    scf.for %scan3A_20 = %scan3A_15 to %scan3A_17 step %scan3A_18  : i32 {
      %get3A = arith.constant 0 : index
      %get3A_21 = tpu.vector_load %arg6[%get3A] {strides = array<i32>} : memref<16xf32, #tpu.memory_space<vmem>>, vector<16xf32>,
      %mul3A_22 = arith.constant 400 : i32
      %mul3A_23 = arith.muli %scan3A_20, %mul3A_22 : i32
      %add3A_24 = arith.constant 0 : i32
      %add3A_25 = arith.addi %mul3A_23, %add3A_24 : i32
      %get3A_26 = arith.index_cast %add3A_25 : i32 to index
      %get3A_27 = tpu.vector_load %arg4[%get3A_26] {strides = array<i32>} : memref<10000xi32, #tpu.memory_space<vmem>>, vector<16xi32>,
      %add3A_28 = arith.constant 16 : i32
      %add3A_29 = arith.addi %mul3A_23, %add3A_28 : i32
      %get3A_30 = arith.index_cast %add3A_29 : i32 to index
      %get3A_31 = tpu.vector_load %arg4[%get3A_30] {strides = array<i32>} : memref<10000xi32, #tpu.memory_space<vmem>>, vector<16xi32>,
      %add3A_32 = arith.constant 32 : i32
      %add3A_33 = arith.addi %mul3A_23, %add3A_32 : i32
      %get3A_34 = arith.index_cast %add3A_33 : i32 to index
      %get3A_35 = tpu.vector_load %arg4[%get3A_34] {strides = array<i32>} : memref<10000xi32, #tpu.memory_space<vmem>>, vector<16xi32>,
      %add3A_36 = arith.constant 48 : i32
      %add3A_37 = arith.addi %mul3A_23, %add3A_36 : i32
      %get3A_38 = arith.index_cast %add3A_37 : i32 to index
      %get3A_39 = tpu.vector_load %arg4[%get3A_38] {strides = array<i32>} : memref<10000xi32, #tpu.memory_space<vmem>>, vector<16xi32>,
      %add3A_40 = arith.constant 64 : i32
      %add3A_41 = arith.addi %mul3A_23, %add3A_40 : i32
      %get3A_42 = arith.index_cast %add3A_41 : i32 to index
      %get3A_43 = tpu.vector_load %arg4[%get3A_42] {strides = array<i32>} : memref<10000xi32, #tpu.memory_space<vmem>>, vector<16xi32>,
      %add3A_44 = arith.constant 80 : i32
      %add3A_45 = arith.addi %mul3A_23, %add3A_44 : i32
      %get3A_46 = arith.index_cast %add3A_45 : i32 to index
      %get3A_47 = tpu.vector_load %arg4[%get3A_46] {strides = array<i32>} : memref<10000xi32, #tpu.memory_space<vmem>>, vector<16xi32>,
      %add3A_48 = arith.constant 96 : i32
      %add3A_49 = arith.addi %mul3A_23, %add3A_48 : i32
      %get3A_50 = arith.index_cast %add3A_49 : i32 to index
      %get3A_51 = tpu.vector_load %arg4[%get3A_50] {strides = array<i32>} : memref<10000xi32, #tpu.memory_space<vmem>>, vector<16xi32>,
      %add3A_52 = arith.constant 112 : i32
      %add3A_53 = arith.addi %mul3A_23, %add3A_52 : i32
      %get3A_54 = arith.index_cast %add3A_53 : i32 to index
      %get3A_55 = tpu.vector_load %arg4[%get3A_54] {strides = array<i32>} : memref<10000xi32, #tpu.memory_space<vmem>>, vector<16xi32>,
      %add3A_56 = arith.constant 128 : i32
      %add3A_57 = arith.addi %mul3A_23, %add3A_56 : i32
      %get3A_58 = arith.index_cast %add3A_57 : i32 to index
      %get3A_59 = tpu.vector_load %arg4[%get3A_58] {strides = array<i32>} : memref<10000xi32, #tpu.memory_space<vmem>>, vector<16xi32>,
      %add3A_60 = arith.constant 144 : i32
      %add3A_61 = arith.addi %mul3A_23, %add3A_60 : i32
      %get3A_62 = arith.index_cast %add3A_61 : i32 to index
      %get3A_63 = tpu.vector_load %arg4[%get3A_62] {strides = array<i32>} : memref<10000xi32, #tpu.memory_space<vmem>>, vector<16xi32>,
      %add3A_64 = arith.constant 160 : i32
      %add3A_65 = arith.addi %mul3A_23, %add3A_64 : i32
      %get3A_66 = arith.index_cast %add3A_65 : i32 to index
      %get3A_67 = tpu.vector_load %arg4[%get3A_66] {strides = array<i32>} : memref<10000xi32, #tpu.memory_space<vmem>>, vector<16xi32>,
      %add3A_68 = arith.constant 176 : i32
      %add3A_69 = arith.addi %mul3A_23, %add3A_68 : i32
      %get3A_70 = arith.index_cast %add3A_69 : i32 to index
      %get3A_71 = tpu.vector_load %arg4[%get3A_70] {strides = array<i32>} : memref<10000xi32, #tpu.memory_space<vmem>>, vector<16xi32>,
      %add3A_72 = arith.constant 192 : i32
      %add3A_73 = arith.addi %mul3A_23, %add3A_72 : i32
      %get3A_74 = arith.index_cast %add3A_73 : i32 to index
      %get3A_75 = tpu.vector_load %arg4[%get3A_74] {strides = array<i32>} : memref<10000xi32, #tpu.memory_space<vmem>>, vector<16xi32>,
      %add3A_76 = arith.constant 208 : i32
      %add3A_77 = arith.addi %mul3A_23, %add3A_76 : i32
      %get3A_78 = arith.index_cast %add3A_77 : i32 to index
      %get3A_79 = tpu.vector_load %arg4[%get3A_78] {strides = array<i32>} : memref<10000xi32, #tpu.memory_space<vmem>>, vector<16xi32>,
      %add3A_80 = arith.constant 224 : i32
      %add3A_81 = arith.addi %mul3A_23, %add3A_80 : i32
      %get3A_82 = arith.index_cast %add3A_81 : i32 to index
      %get3A_83 = tpu.vector_load %arg4[%get3A_82] {strides = array<i32>} : memref<10000xi32, #tpu.memory_space<vmem>>, vector<16xi32>,
      %add3A_84 = arith.constant 240 : i32
      %add3A_85 = arith.addi %mul3A_23, %add3A_84 : i32
      %get3A_86 = arith.index_cast %add3A_85 : i32 to index
      %get3A_87 = tpu.vector_load %arg4[%get3A_86] {strides = array<i32>} : memref<10000xi32, #tpu.memory_space<vmem>>, vector<16xi32>,
      %add3A_88 = arith.constant 256 : i32
      %add3A_89 = arith.addi %mul3A_23, %add3A_88 : i32
      %get3A_90 = arith.index_cast %add3A_89 : i32 to index
      %get3A_91 = tpu.vector_load %arg4[%get3A_90] {strides = array<i32>} : memref<10000xi32, #tpu.memory_space<vmem>>, vector<16xi32>,
      %add3A_92 = arith.constant 272 : i32
      %add3A_93 = arith.addi %mul3A_23, %add3A_92 : i32
      %get3A_94 = arith.index_cast %add3A_93 : i32 to index
      %get3A_95 = tpu.vector_load %arg4[%get3A_94] {strides = array<i32>} : memref<10000xi32, #tpu.memory_space<vmem>>, vector<16xi32>,
      %add3A_96 = arith.constant 288 : i32
      %add3A_97 = arith.addi %mul3A_23, %add3A_96 : i32
      %get3A_98 = arith.index_cast %add3A_97 : i32 to index
      %get3A_99 = tpu.vector_load %arg4[%get3A_98] {strides = array<i32>} : memref<10000xi32, #tpu.memory_space<vmem>>, vector<16xi32>,
      %add3A_100 = arith.constant 304 : i32
      %add3A_101 = arith.addi %mul3A_23, %add3A_100 : i32
      %get3A_102 = arith.index_cast %add3A_101 : i32 to index
      %get3A_103 = tpu.vector_load %arg4[%get3A_102] {strides = array<i32>} : memref<10000xi32, #tpu.memory_space<vmem>>, vector<16xi32>,
      %add3A_104 = arith.constant 320 : i32
      %add3A_105 = arith.addi %mul3A_23, %add3A_104 : i32
      %get3A_106 = arith.index_cast %add3A_105 : i32 to index
      %get3A_107 = tpu.vector_load %arg4[%get3A_106] {strides = array<i32>} : memref<10000xi32, #tpu.memory_space<vmem>>, vector<16xi32>,
      %add3A_108 = arith.constant 336 : i32
      %add3A_109 = arith.addi %mul3A_23, %add3A_108 : i32
      %get3A_110 = arith.index_cast %add3A_109 : i32 to index
      %get3A_111 = tpu.vector_load %arg4[%get3A_110] {strides = array<i32>} : memref<10000xi32, #tpu.memory_space<vmem>>, vector<16xi32>,
      %add3A_112 = arith.constant 352 : i32
      %add3A_113 = arith.addi %mul3A_23, %add3A_112 : i32
      %get3A_114 = arith.index_cast %add3A_113 : i32 to index
      %get3A_115 = tpu.vector_load %arg4[%get3A_114] {strides = array<i32>} : memref<10000xi32, #tpu.memory_space<vmem>>, vector<16xi32>,
      %add3A_116 = arith.constant 368 : i32
      %add3A_117 = arith.addi %mul3A_23, %add3A_116 : i32
      %get3A_118 = arith.index_cast %add3A_117 : i32 to index
      %get3A_119 = tpu.vector_load %arg4[%get3A_118] {strides = array<i32>} : memref<10000xi32, #tpu.memory_space<vmem>>, vector<16xi32>,
      %add3A_120 = arith.constant 384 : i32
      %add3A_121 = arith.addi %mul3A_23, %add3A_120 : i32
      %get3A_122 = arith.index_cast %add3A_121 : i32 to index
      %get3A_123 = tpu.vector_load %arg4[%get3A_122] {strides = array<i32>} : memref<10000xi32, #tpu.memory_space<vmem>>, vector<16xi32>,
      tpu.vector_store_idx %arg5[%get3A_27], %get3A_21 {add = true} : memref<10000xf32, #tpu.memory_space<vmem>>[vector<16xi32>], vector<16xf32>,
      tpu.vector_store_idx %arg5[%get3A_31], %get3A_21 {add = true} : memref<10000xf32, #tpu.memory_space<vmem>>[vector<16xi32>], vector<16xf32>,
      tpu.vector_store_idx %arg5[%get3A_35], %get3A_21 {add = true} : memref<10000xf32, #tpu.memory_space<vmem>>[vector<16xi32>], vector<16xf32>,
      tpu.vector_store_idx %arg5[%get3A_39], %get3A_21 {add = true} : memref<10000xf32, #tpu.memory_space<vmem>>[vector<16xi32>], vector<16xf32>,
      tpu.vector_store_idx %arg5[%get3A_43], %get3A_21 {add = true} : memref<10000xf32, #tpu.memory_space<vmem>>[vector<16xi32>], vector<16xf32>,
      tpu.vector_store_idx %arg5[%get3A_47], %get3A_21 {add = true} : memref<10000xf32, #tpu.memory_space<vmem>>[vector<16xi32>], vector<16xf32>,
      tpu.vector_store_idx %arg5[%get3A_51], %get3A_21 {add = true} : memref<10000xf32, #tpu.memory_space<vmem>>[vector<16xi32>], vector<16xf32>,
      tpu.vector_store_idx %arg5[%get3A_55], %get3A_21 {add = true} : memref<10000xf32, #tpu.memory_space<vmem>>[vector<16xi32>], vector<16xf32>,
      tpu.vector_store_idx %arg5[%get3A_59], %get3A_21 {add = true} : memref<10000xf32, #tpu.memory_space<vmem>>[vector<16xi32>], vector<16xf32>,
      tpu.vector_store_idx %arg5[%get3A_63], %get3A_21 {add = true} : memref<10000xf32, #tpu.memory_space<vmem>>[vector<16xi32>], vector<16xf32>,
      tpu.vector_store_idx %arg5[%get3A_67], %get3A_21 {add = true} : memref<10000xf32, #tpu.memory_space<vmem>>[vector<16xi32>], vector<16xf32>,
      tpu.vector_store_idx %arg5[%get3A_71], %get3A_21 {add = true} : memref<10000xf32, #tpu.memory_space<vmem>>[vector<16xi32>], vector<16xf32>,
      tpu.vector_store_idx %arg5[%get3A_75], %get3A_21 {add = true} : memref<10000xf32, #tpu.memory_space<vmem>>[vector<16xi32>], vector<16xf32>,
      tpu.vector_store_idx %arg5[%get3A_79], %get3A_21 {add = true} : memref<10000xf32, #tpu.memory_space<vmem>>[vector<16xi32>], vector<16xf32>,
      tpu.vector_store_idx %arg5[%get3A_83], %get3A_21 {add = true} : memref<10000xf32, #tpu.memory_space<vmem>>[vector<16xi32>], vector<16xf32>,
      tpu.vector_store_idx %arg5[%get3A_87], %get3A_21 {add = true} : memref<10000xf32, #tpu.memory_space<vmem>>[vector<16xi32>], vector<16xf32>,
      tpu.vector_store_idx %arg5[%get3A_91], %get3A_21 {add = true} : memref<10000xf32, #tpu.memory_space<vmem>>[vector<16xi32>], vector<16xf32>,
      tpu.vector_store_idx %arg5[%get3A_95], %get3A_21 {add = true} : memref<10000xf32, #tpu.memory_space<vmem>>[vector<16xi32>], vector<16xf32>,
      tpu.vector_store_idx %arg5[%get3A_99], %get3A_21 {add = true} : memref<10000xf32, #tpu.memory_space<vmem>>[vector<16xi32>], vector<16xf32>,
      tpu.vector_store_idx %arg5[%get3A_103], %get3A_21 {add = true} : memref<10000xf32, #tpu.memory_space<vmem>>[vector<16xi32>], vector<16xf32>,
      tpu.vector_store_idx %arg5[%get3A_107], %get3A_21 {add = true} : memref<10000xf32, #tpu.memory_space<vmem>>[vector<16xi32>], vector<16xf32>,
      tpu.vector_store_idx %arg5[%get3A_111], %get3A_21 {add = true} : memref<10000xf32, #tpu.memory_space<vmem>>[vector<16xi32>], vector<16xf32>,
      tpu.vector_store_idx %arg5[%get3A_115], %get3A_21 {add = true} : memref<10000xf32, #tpu.memory_space<vmem>>[vector<16xi32>], vector<16xf32>,
      tpu.vector_store_idx %arg5[%get3A_119], %get3A_21 {add = true} : memref<10000xf32, #tpu.memory_space<vmem>>[vector<16xi32>], vector<16xf32>,
      tpu.vector_store_idx %arg5[%get3A_123], %get3A_21 {add = true} : memref<10000xf32, #tpu.memory_space<vmem>>[vector<16xi32>], vector<16xf32>,
    }
    %scan3A_19 = arith.constant 25 : i32
    "tpu.region"() ({
      %run_scoped3A = tpu.sem_alloc : memref<!tpu.dma_semaphore, #tpu.memory_space<semaphore_mem>>
      %dma_start3A_20 = arith.constant 0 : i32
      %dma_start3A_21 = tpu.memref_slice %arg3[%add3A, %dma_start3A_20] : memref<32x10000xf32, #tpu.memory_space<hbm>> -> memref<1x10000xf32, #tpu.memory_space<hbm>>
      %dma_start3A_22 = tpu.memref_squeeze %dma_start3A_21 : memref<1x10000xf32, #tpu.memory_space<hbm>> -> memref<10000xf32, #tpu.memory_space<hbm>>
      %dma_start3A_23 = arith.constant 0 : i32
      %dma_start3A_24 = tpu.memref_slice %arg3[%add3A, %dma_start3A_23] : memref<32x10000xf32, #tpu.memory_space<hbm>> -> memref<1x10000xf32, #tpu.memory_space<hbm>>
      %dma_start3A_25 = tpu.memref_squeeze %dma_start3A_24 : memref<1x10000xf32, #tpu.memory_space<hbm>> -> memref<10000xf32, #tpu.memory_space<hbm>>
      tpu.enqueue_dma source(%arg5 : memref<10000xf32, #tpu.memory_space<vmem>>) target(%dma_start3A_25 : memref<10000xf32, #tpu.memory_space<hbm>>) target_semaphore(%run_scoped3A : memref<!tpu.dma_semaphore, #tpu.memory_space<semaphore_mem>>)
      %dma_wait3A_26 = arith.constant 0 : i32
      %dma_wait3A_27 = tpu.memref_slice %arg3[%add3A, %dma_wait3A_26] : memref<32x10000xf32, #tpu.memory_space<hbm>> -> memref<1x10000xf32, #tpu.memory_space<hbm>>
      %dma_wait3A_28 = tpu.memref_squeeze %dma_wait3A_27 : memref<1x10000xf32, #tpu.memory_space<hbm>> -> memref<10000xf32, #tpu.memory_space<hbm>>
      %dma_wait3A_29 = arith.constant 0 : i32
      %dma_wait3A_30 = tpu.memref_slice %arg3[%add3A, %dma_wait3A_29] : memref<32x10000xf32, #tpu.memory_space<hbm>> -> memref<1x10000xf32, #tpu.memory_space<hbm>>
      %dma_wait3A_31 = tpu.memref_squeeze %dma_wait3A_30 : memref<1x10000xf32, #tpu.memory_space<hbm>> -> memref<10000xf32, #tpu.memory_space<hbm>>
      tpu.wait_dma2 semaphore(%run_scoped3A : memref<!tpu.dma_semaphore, #tpu.memory_space<semaphore_mem>>) src(%arg5 : memref<10000xf32, #tpu.memory_space<vmem>>) dst(%dma_wait3A_31 : memref<10000xf32, #tpu.memory_space<hbm>>)
      tpu.yield
    }) : () -> ()
    return
  }
}

module attributes {stable_mosaic.version = 14 : i64} {
  func.func @_tc_mv(%arg0: memref<10000x128xf32, #tpu.memory_space<vmem>>, %arg1: memref<128x1xf32, #tpu.memory_space<vmem>>, %arg2: memref<10000xf32, #tpu.memory_space<vmem>>) attributes {dimension_semantics = [], scalar_prefetch = 0 : i64, scratch_operands = 0 : i64, tpu.core_type = #tpu.core_type<tc>} {
    %get3A = arith.constant 0 : index
    %get3A_0 = arith.constant 0 : index
    %get3A_1 = vector.load %arg0[%get3A, %get3A_0] : memref<10000x128xf32, #tpu.memory_space<vmem>>, vector<10000x128xf32>
    %get3A_2 = arith.constant 0 : index
    %get3A_3 = arith.constant 0 : index
    %get3A_4 = vector.load %arg1[%get3A_2, %get3A_3] : memref<128x1xf32, #tpu.memory_space<vmem>>, vector<128x1xf32>
    %dot_general3A = arith.constant dense<0.000000e+00> : vector<10000x1xf32>
    %dot_general3A_5 = tpu.matmul %get3A_1, %get3A_4, %dot_general3A {dimension_numbers = #tpu.dot_dimension_numbers<[1], [0], [0], [1], [0, 0, 1, 1], [], []>, transpose_lhs_hint = false} : vector<10000x128xf32>, vector<128x1xf32>, vector<10000x1xf32> -> vector<10000x1xf32>
    %squeeze3A = vector.shape_cast %dot_general3A_5 : vector<10000x1xf32> to vector<10000xf32>
    %swap3A = arith.constant 0 : index
    %swap3A_6 = vector.load %arg2[%swap3A] : memref<10000xf32, #tpu.memory_space<vmem>>, vector<10000xf32>
    tpu.vector_store %arg2[%swap3A], %squeeze3A {strides = array<i32>} : memref<10000xf32, #tpu.memory_space<vmem>>, vector<10000xf32>,
    return
  }
}

module attributes {stable_mosaic.version = 14 : i64} {
  func.func @_tc_pre(%arg0: memref<10000xf32, #tpu.memory_space<vmem>>, %arg1: memref<32x10000xf32, #tpu.memory_space<vmem>>, %arg2: memref<10000xf32, #tpu.memory_space<vmem>>, %arg3: memref<10000xf32, #tpu.memory_space<vmem>>) attributes {dimension_semantics = [], scalar_prefetch = 0 : i64, scratch_operands = 0 : i64, tpu.core_type = #tpu.core_type<tc>} {
    %get3A = arith.constant 0 : index
    %get3A_0 = arith.constant 0 : index
    %get3A_1 = vector.load %arg1[%get3A, %get3A_0] : memref<32x10000xf32, #tpu.memory_space<vmem>>, vector<32x10000xf32>
    %reduce_sum3A = arith.constant dense<0.000000e+00> : vector<10000xf32>
    %reduce_sum3A_2 = vector.multi_reduction <add>, %get3A_1, %reduce_sum3A [0] : vector<32x10000xf32> to vector<10000xf32>
    %add3A = arith.constant 1.000000e+00 : f32
    %add3A_3 = vector.broadcast %add3A : f32 to vector<10000xf32>
    %add3A_4 = arith.addf %reduce_sum3A_2, %add3A_3 : vector<10000xf32>
    %rsqrt3A = math.rsqrt %add3A_4 : vector<10000xf32>
    %get3A_5 = arith.constant 0 : index
    %get3A_6 = vector.load %arg0[%get3A_5] : memref<10000xf32, #tpu.memory_space<vmem>>, vector<10000xf32>
    %mul3A = arith.mulf %get3A_6, %rsqrt3A : vector<10000xf32>
    %swap3A = arith.constant 0 : index
    %swap3A_7 = vector.load %arg3[%swap3A] : memref<10000xf32, #tpu.memory_space<vmem>>, vector<10000xf32>
    tpu.vector_store %arg3[%swap3A], %mul3A {strides = array<i32>} : memref<10000xf32, #tpu.memory_space<vmem>>, vector<10000xf32>,
    %swap3A_8 = arith.constant 0 : index
    %swap3A_9 = vector.load %arg2[%swap3A_8] : memref<10000xf32, #tpu.memory_space<vmem>>, vector<10000xf32>
    tpu.vector_store %arg2[%swap3A_8], %rsqrt3A {strides = array<i32>} : memref<10000xf32, #tpu.memory_space<vmem>>, vector<10000xf32>,
    return
  }
}

module attributes {stable_mosaic.version = 14 : i64} {
  func.func @_tc_post(%arg0: memref<10000xf32, #tpu.memory_space<vmem>>, %arg1: memref<10000xf32, #tpu.memory_space<vmem>>, %arg2: memref<32x10000xf32, #tpu.memory_space<vmem>>, %arg3: memref<1xf32, #tpu.memory_space<vmem>>, %arg4: memref<10000xf32, #tpu.memory_space<vmem>>) attributes {dimension_semantics = [], scalar_prefetch = 0 : i64, scratch_operands = 0 : i64, tpu.core_type = #tpu.core_type<tc>} {
    %get3A = arith.constant 0 : index
    %get3A_0 = vector.load %arg1[%get3A] : memref<10000xf32, #tpu.memory_space<vmem>>, vector<10000xf32>
    %get3A_1 = arith.constant 0 : index
    %get3A_2 = arith.constant 0 : index
    %get3A_3 = vector.load %arg2[%get3A_1, %get3A_2] : memref<32x10000xf32, #tpu.memory_space<vmem>>, vector<32x10000xf32>
    %reduce_sum3A = arith.constant dense<0.000000e+00> : vector<10000xf32>
    %reduce_sum3A_4 = vector.multi_reduction <add>, %get3A_3, %reduce_sum3A [0] : vector<32x10000xf32> to vector<10000xf32>
    %add3A = arith.addf %get3A_0, %reduce_sum3A_4 : vector<10000xf32>
    %get3A_5 = arith.constant 0 : index
    %get3A_6 = vector.load %arg0[%get3A_5] : memref<10000xf32, #tpu.memory_space<vmem>>, vector<10000xf32>
    %mul3A = arith.mulf %get3A_6, %add3A : vector<10000xf32>
    %get3A_7 = arith.constant 0 : index
    %get3A_8 = vector.load %arg3[%get3A_7] : memref<1xf32, #tpu.memory_space<vmem>>, vector<1xf32>
    %get3A_9 = vector.extract %get3A_8[0] : f32 from vector<1xf32>
    %add3A_10 = vector.broadcast %get3A_9 : f32 to vector<10000xf32>
    %add3A_11 = arith.addf %mul3A, %add3A_10 : vector<10000xf32>
    %swap3A = arith.constant 0 : index
    %swap3A_12 = vector.load %arg4[%swap3A] : memref<10000xf32, #tpu.memory_space<vmem>>, vector<10000xf32>
    tpu.vector_store %arg4[%swap3A], %add3A_11 {strides = array<i32>} : memref<10000xf32, #tpu.memory_space<vmem>>, vector<10000xf32>,
    return
  }
}

</mosaic_0001>

<sc_bundles>
// kernel: kernel.10.cloned.1.call-start
scs
__scs_entry_jumppad:
0x0: {  	(pc) =	sbr.rel $0x88, $3  }
0x1: {  	(tag) =	ssettag $0x0;
	lr =	simm.s32 $0x1  }
0x2: {  	[smem:$0x3F9D] =	sst lr;
	_ =	strace $0xD0000000  }
0x3: {  	_ = 	snop  }
0x4: {  	_ = 	snop  }
0x5: {  	_ = 	snop  }
0x6: {  	_ = 	snop  }
0x7: {  	_ = 	snop  }
__scs_overlays_trampoline_lowered:
0x8: {  	[smem:$0x3FAC] =	sst s0  }
0x9: {  	[smem:$0x3FAD] =	sst s1  }
0xa: {  	[smem:$0x3FAE] =	sst s2  }
0xb: {  	[smem:$0x3FAF] =	sst s3  }
0xc: {  	[smem:$0x3FB0] =	sst s4  }
0xd: {  	[smem:$0x3FB1] =	sst s5  }
0xe: {  	[smem:$0x3FB2] =	sst s6  }
0xf: {  	[smem:$0x3FB3] =	sst s7  }
0x10: {  	[smem:$0x3FB4] =	sst s8  }
0x11: {  	[smem:$0x3FB5] =	sst s9;
	s0 =	simm.s32 @!p0 $0x0  }
0x12: {  	s1 =	sld [smem:$0x3F9B];
	s0 =	simm.s32 @p0 $0x1  }
0x13: {  	[smem:$0x3FB6] =	sst s0;
	s0 =	simm.s32 @!p1 $0x0  }
0x14: {  	s2 =	sld [smem:$0x3F9A];
	s0 =	simm.s32 @p1 $0x1  }
0x15: {  	[smem:$0x3FB7] =	sst s0;
	s0 =	simm.s32 @!p2 $0x0  }
0x16: {  	s3 =	sld [smem:$0x3FDB];
	s0 =	simm.s32 @p2 $0x1  }
0x17: {  	s4 =	simm.s32 $0x1BF5;
	[smem:$0x3FB9] =	sst s0  }
0x18: {  	s0 =	sld [smem:$0x3F9C];
	_ =	swait.ge [sflag:s4], $0x0  }
0x19: {  	s7 =	sld [smem:$0x3F9D]  }
0x1a: {  	s8 =	sadd.s32 $0xFFFFE003, lr  }
0x1b: {  	s9 =	sadd.s32 $0xFFFFFEF7, lr;
	s5 =	simm.s32 $0xFFFFFFFF;
	p2 =	slt.u32 s8, $0xFFFFF086  }
0x1c: {  	p1 =	slt.u32 s9, $0xF7A;
	s5 =	simm.s32 @!p2 $0x0  }
0x1d: {  	s5 =	simm.s32 @p1 $0x1;
	p0 =	seq.s32 s7, s2  }
0x1e: {  	s7 =	smul.u32 @!p0 $0xF7A, s2;
	p2 =	seq.s32 @!p0 s5, $0x0  }
0x1f: {  	s9 =	smul.u32 $0xF7A, s1;
	s8 =	simm.s32 @!p0 $0x1BF5;
	p2 =	por !p2, p0  }
0x20: {  	[sflag:s8] =	ssyncset.s32 @!p0 $0xFFFFF086;
	s6 =	sadd.s32 @!p0 s3, s7;
	s7 =	simm.s32 @!p0 $0x108  }
0x21: {  	s3 =	sadd.s32 s3, s9;
	s6 =	sadd.s32 @!p0 $0x88, s6;
	s7 =	simm.s32 @p2 $0x1082  }
0x22: {  	[simem:s7], [sflag:s8] =	dma.local @!p0 [hbm:s6], $0xF7A  }
0x23: {  	s9 =	sor.u32 $0xD0000000, s2;
	s6 =	simm.s32 $0x108;
	_ =	swait.ge @!p0 [sflag:s8], $0x0  }
0x24: {  	s3 =	sadd.s32 $0x88, s3;
	s6 =	simm.s32 @!p1 $0x1082;
	[sflag:s4] =	ssyncset.s32 $0xFFFFF086  }
0x25: {  	[simem:s6], [sflag:s4] =	dma.local [hbm:s3], $0xF7A  }
0x26: {  	[smem:$0x3F9D] =	sst s1;
	(tag) =	ssettag s2;
	_ =	strace s9  }
0x27: {  	s1 =	sld [smem:$0x3FAD]  }
0x28: {  	s2 =	sld [smem:$0x3FAE]  }
0x29: {  	s4 =	sld [smem:$0x3FB0]  }
0x2a: {  	p0 =	seq.s32 s5, $0x0;
	s5 =	sld [smem:$0x3FB1]  }
0x2b: {  	s6 =	sld [smem:$0x3FB2]  }
0x2c: {  	s7 =	sld [smem:$0x3FB3]  }
0x2d: {  	s3 =	simm.s32 $0x108;
	s8 =	sld [smem:$0x3FB4]  }
0x2e: {  	s3 =	simm.s32 @!p0 $0x1082;
	s9 =	sld [smem:$0x3FB5]  }
0x2f: {  	lr =	sadd.s32 s0, s3;
	s0 =	sld [smem:$0x3FAC]  }
0x30: {  	s3 =	sld [smem:$0x3FAF]  }
0x31: {  	[smem:$0x3FB8] =	sst s10  }
0x32: {  	s10 =	sld [smem:$0x3FB6];
	_ =	sdelay $0x3  }
0x33: {  	p0 =	seq.s32 s10, $0x1;
	s10 =	sld [smem:$0x3FB8];
	_ =	sdelay $0x3  }
0x34: {  	[smem:$0x3FB8] =	sst s10  }
0x35: {  	s10 =	sld [smem:$0x3FB7];
	_ =	sdelay $0x3  }
0x36: {  	p1 =	seq.s32 s10, $0x1;
	s10 =	sld [smem:$0x3FB8];
	_ =	sdelay $0x3  }
0x37: {  	[smem:$0x3FB8] =	sst s10  }
0x38: {  	s10 =	sld [smem:$0x3FB9]  }
0x39: {  	_ = 	snop;
	(pc) =	sbr.ind lr, $3  }
0x3a: {  	_ = 	snop  }
0x3b: {  	_ = 	snop  }
0x3c: {  	p2 =	seq.s32 s10, $0x1;
	s10 =	sld [smem:$0x3FB8]  }
0x3d: {  	_ =	shalt  }
0x3e: {  	_ =	shalt  }
0x3f: {  	_ =	shalt  }
0x40: {  	_ =	shalt  }
0x41: {  	_ =	shalt  }
0x42: {  	_ =	shalt  }
0x43: {  	_ =	shalt  }
0x44: {  	_ =	shalt  }
0x45: {  	_ =	shalt  }
0x46: {  	_ =	shalt  }
0x47: {  	_ =	shalt  }
0x48: {  	_ =	shalt  }
0x49: {  	_ =	shalt  }
0x4a: {  	_ =	shalt  }
0x4b: {  	_ =	shalt  }
0x4c: {  	_ =	shalt  }
0x4d: {  	_ =	shalt  }
0x4e: {  	_ =	shalt  }
0x4f: {  	_ =	shalt  }
0x50: {  	_ =	shalt  }
0x51: {  	_ =	shalt  }
0x52: {  	_ =	shalt  }
0x53: {  	_ =	shalt  }
0x54: {  	_ =	shalt  }
0x55: {  	_ =	shalt  }
0x56: {  	_ =	shalt  }
0x57: {  	_ =	shalt  }
0x58: {  	_ =	shalt  }
0x59: {  	_ =	shalt  }
0x5a: {  	_ =	shalt  }
0x5b: {  	_ =	shalt  }
0x5c: {  	_ =	shalt  }
0x5d: {  	_ =	shalt  }
0x5e: {  	_ =	shalt  }
0x5f: {  	_ =	shalt  }
0x60: {  	_ =	shalt  }
0x61: {  	_ =	shalt  }
0x62: {  	_ =	shalt  }
0x63: {  	_ =	shalt  }
0x64: {  	_ =	shalt  }
0x65: {  	_ =	shalt  }
0x66: {  	_ =	shalt  }
0x67: {  	_ =	shalt  }
0x68: {  	_ =	shalt  }
0x69: {  	_ =	shalt  }
0x6a: {  	_ =	shalt  }
0x6b: {  	_ =	shalt  }
0x6c: {  	_ =	shalt  }
0x6d: {  	_ =	shalt  }
0x6e: {  	_ =	shalt  }
0x6f: {  	_ =	shalt  }
0x70: {  	_ =	shalt  }
0x71: {  	_ =	shalt  }
0x72: {  	_ =	shalt  }
0x73: {  	_ =	shalt  }
0x74: {  	_ =	shalt  }
0x75: {  	_ =	shalt  }
0x76: {  	_ =	shalt  }
0x77: {  	_ =	shalt  }
0x78: {  	_ =	shalt  }
0x79: {  	_ =	shalt  }
0x7a: {  	_ =	shalt  }
0x7b: {  	_ =	shalt  }
0x7c: {  	_ =	shalt  }
0x7d: {  	_ =	shalt  }
0x7e: {  	_ =	shalt  }
0x7f: {  	_ =	shalt  }
0x80: {  	_ =	shalt  }
0x81: {  	_ =	shalt  }
0x82: {  	_ =	shalt  }
0x83: {  	_ =	shalt  }
0x84: {  	_ =	shalt  }
0x85: {  	_ =	shalt  }
0x86: {  	_ =	shalt  }
0x87: {  	_ =	shalt  }
.Lfunc_end0:
.L_simem_size_0:
called_computation.1_lowered:
.L_overlay_start_0:
0x88: {  	s2 =	sld [smem:$0x3FD9]  }
0x89: {  	s3 =	sld [smem:$0x3FFE];
	_ =	sdelay $0x1  }
0x8a: {  	s1 =	srdreg.scid  }
0x8b: {  	s0 =	sand.u32 $0x1, s1  }
0x8c: {  	s16 =	sshll.u32 s0, $0xA;
	s2 =	sadd.s32 s3, s2  }
0x8d: {  	s2 =	sadd.s32 s2, s16  }
0x8e: {  	[smem:$0x3FC4] =	sst s2  }
0x8f: {  	_ = 	snop  }
0x90: {  	(tm) =	ssettm $0x1  }
0x91: {  	s17 =	sld [smem:$0x3FFB];
	_ =	sdelay $0x3  }
0x92: {  	_ =	strace s17  }
0x93: {  	s2 =	sld [smem:$0x3FFC];
	_ =	sdelay $0x3  }
0x94: {  	_ =	strace s2  }
0x95: {  	s2 =	sld [smem:$0x3FFD];
	_ =	sdelay $0x3  }
0x96: {  	_ =	strace s2  }
0x97: {  	_ =	strace $0x8FFFFFFF  }
0x98: {  	s18 =	sld [smem:$0x3FDB];
	_ =	sdelay $0x1  }
0x99: {  	s19 =	simm.s32 $_scs_section_size  }
0x9a: {  	s4 =	simm.s32 $_size__tile_overlayer_lowered;
	s5 =	simm.s32 $_tile_overlayer_lowered  }
0x9b: {  	s22 =	simm.s32 $0x1BFF;
	s21 =	sshll.u32 s5, $0x1;
	s2 =	sadd.s32 s19, s18  }
0x9c: {  	s6 =	simm.s32 $0x0;
	s20 =	sshll.u32 s4, $0x1;
	s4 =	sadd.s32 s21, s2  }
0x9d: {  	[timem:s6], [sflag:s22] =	dma.local [hbm:s4], s20  }
0x9e: {  	_ =	swait.ge [sflag:s22], s20  }
0x9f: {  	s3 =	ssub.s32 $0x0, s20;
	[sflag:s22] =	ssyncset.done $0x0  }
0xa0: {  	[sflag:s22] =	ssyncadd.s32 s3;
	_ =	sdelay $0x1  }
0xa1: {  	s23 =	simm.s32 $0x1B8B  }
0xa2: {  	_ =	swait.ge [sflag:s23], $0x1  }
0xa3: {  	[sflag:s23] =	ssyncset.done $0x0  }
0xa4: {  	s25 =	simm.s32 $0x1B8E;
	s24 =	sld [smem:$0x3FFE];
	[sflag:s23] =	ssyncadd.s32 $0xFFFFFFFF  }
0xa5: {  	s26 =	simm.s32 $execute0_lowered;
	[smem:$0x3FD2] =	sst s25  }
0xa6: {  	s4 =	sshll.u32 s26, $0x1;
	_ =	strace $0x80000049;
	[dreg:$0x1] =	wrdreg $0xFFFFFFFF  }
0xa7: {  	s28 =	simm.s32 $_size_execute0_lowered;
	s2 =	sadd.s32 s2, s4;
	[dreg:$0x0] =	wrdreg $0x0  }
0xa8: {  	s4 =	sshll.u32 s28, $0x1;
	[dreg:$0x2] =	wrdreg s2  }
0xa9: {  	[dreg:$0x3] =	wrdreg s4  }
0xaa: {  	[dreg:$0x4] =	wrdreg $0xC0  }
0xab: {  	_ =	task [dreg:s6], $0x5FFFF  }
0xac: {  	[dreg:$0x1] =	wrdreg $0xFFFFFFFF  }
0xad: {  	[dreg:$0x0] =	wrdreg $0x60  }
0xae: {  	[dreg:$0x2] =	wrdreg s24  }
0xaf: {  	[dreg:$0x3] =	wrdreg $0x9  }
0xb0: {  	_ =	task.clear_ibuf [dreg:s6], $0x4FFFF;
	_ =	strace $0x90000049  }
0xb1: {  	s29 =	simm.s32 $0x9;
	_ =	strace $0x8000004B  }
0xb2: {  	_ =	swait.ge [sflag:s29], $0x1  }
0xb3: {  	[sflag:s29] =	ssyncadd.s32 $0xFFFFFFFF  }
0xb4: {  	_ =	strace $0x9000004B  }
0xb5: {  	_ =	sfence  }
0xb6: {  	s30 =	sld [smem:$0x0];
	_ =	sdelay $0x2  }
0xb7: {  	s31 =	sshll.u32 s1, $0xD;
	s1 =	sshrl.u32 s1, $0x2  }
0xb8: {  	s3 =	sand.u32 $0x4000, s31;
	s1 =	sadd.s32 s1, s30  }
0xb9: {  	s0 =	sor.u32 s3, s0;
	s1 =	sshll.u32 s1, $0x11  }
0xba: {  	s0 =	sor.u32 s1, s0  }
0xbb: {  	s0 =	sadd.s32 $0x8F2B, s0  }
0xbc: {  	[sflag:s0] =	ssyncadd.remote.s32 $0x1  }
0xbd: {  	_ =	sfence.sel $0xFFFF  }
0xbe: {  	[dreg:$0x0] =	wrdreg $0xFFFFFFFF;
	(pc) =	sbr.abs _section_cstart, $3  }
0xbf: {  	[dreg:$0x1] =	wrdreg $0xFFFFFFFF  }
0xc0: {  	_ =	task.clear_ibuf [dreg:s6], $0x2FFFF;
	_ =	strace $0x9FFFFFFF  }
0xc1: {  	(tm) =	ssettm $0x7FFFFFFF  }
tec
execute0_lowered:
.L_overlay_start_1:
0x0: {  	(tag) =	ssettag $0x1  }
0x1: {  	s0 =	srdreg.scid  }
0x2: {  	s4 =	rddreg [dreg:$0x0];
	s1 =	stileid.u32  }
0x3: {  	s10 =	simm.s32 $0x1;
	s11 =	simm.s32 $0x7680;
	s12 =	simm.s32 $0x80  }
0x4: {  	s13 =	simm.s32 $0x400;
	s14 =	simm.s32 $0x2;
	s3 =	sand.u32 $0x1, s0  }
0x5: {  	s15 =	simm.s32 $0x0;
	s7 =	sshll.u32 s1, $0x7;
	s2 =	sshll.u32 s3, $0x4  }
0x6: {  	s0 =	rddreg [dreg:$0x1];
	s7 =	sand.u32 $0x380, s7;
	s5 =	sor.u32 s1, s2  }
0x7: {  	s31 =	ssub.s32 $0x2, s3;
	s6 =	smul.u32 $0x2710, s5;
	s5 =	sshrl.u32 s5, $0x3  }
0x8: {  	s3 =	sadd.s32 $0x15600, s4;
	s2 =	simm.s32 $0x0;
	s5 =	smul.u32 $0x13C00, s5  }
0x9: {  	s8 =	sshrl.u32 s31, $0x1;
	[smem:$0x7FF] =	sst s2;
	s6 =	sshrl.u32 s6, $0x3  }
0xa: {  	_ =	strace $0x8000004A;
	s5 =	sor.u32 s7, s5;
	s6 =	sadd.s32 s6, s4  }
0xb: {  	s7 =	ssub.s32 s31, s8;
	s8 =	simm.s32 $0x2780;
	s5 =	sshrl.u32 s5, $0x3  }
0xc: {  	s7 =	smax.u32 s7, $0x1;
	s9 =	sadd.s32 s5, s4;
	s4 =	sadd.s32 $0x1C00, s6  }
0xd: {  	v0 =	vimm.f32 $0.0e+00;
	s5 =	sadd.s32 $0xB840, s6;
	s6 =	sadd.s32 $0x15C00, s9;
	s9 =	simm.s32 $0x4F00  }
.LBB2_1:
0xe: {  	[tilespmem:s2], [sflag:$0x1] =	stream.linear.gather [hbm4b:s4+s2], $0x2710, $0x38;
	[tilespmem:$0x9E00] =	vst v63  }
0xf: {  	_ = 	snop  }
0x10: {  	[tilespmem:s8], [sflag:$0x1] =	stream.linear.gather [hbm4b:s5+s2], $0x2710, $0x38;
	[tilespmem:$0x9E00] =	vst v63  }
0x11: {  	s16 =	simm.s32 $0x40;
	s17 =	simm.s32 $0x0  }
0x12: {  	[tilespmem:s9], [sflag:$0x1] =	stream.linear.gather [hbm4b:s3+s2], $0x2780, $0x38;
	[tilespmem:$0x9E00] =	vst v63  }
.LBB2_2:
0x13: {  	p0 =	sne.s32 s16, $0x9C00;
	[tilespmem:s17+$0x7680] =	vst v0;
	s17 =	smov.u32 s16;
	s16 =	sadd.s32 $0x40, s16  }
.Ltmp0:
0x14: {  	(pc) =	sbr.rel @p0 .LBB2_2-.Ltmp0, $2  }
0x15: {  	_ =	sdelay $0x2  }
0x16: {  	s17 =	sshra.s32 s17, $0x2  }
0x17: {  	[tilespmem:s17+$0x7680] =	vst v0  }
0x18: {  	_ =	swait.ge [sflag:s10], $0x2710  }
0x19: {  	[sflag:s10] =	ssyncset.done $0x0  }
0x1a: {  	[sflag:s10] =	ssyncadd.s32 $0xFFFFD8F0  }
0x1b: {  	_ =	swait.ge [sflag:s10], $0x2710  }
0x1c: {  	[sflag:s10] =	ssyncset.done $0x0  }
0x1d: {  	[sflag:s10] =	ssyncadd.s32 $0xFFFFD8F0  }
0x1e: {  	_ =	swait.ge [sflag:s10], $0x2780  }
0x1f: {  	[sflag:s10] =	ssyncset.done $0x0  }
0x20: {  	s16 =	simm.s32 $0x0;
	[sflag:s10] =	ssyncadd.s32 $0xFFFFD880  }
0x21: {  	v2 =	vld [tilespmem:s16+$0x20]  }
0x22: {  	v3 =	vld [tilespmem:s16+$0x10]  }
0x23: {  	v4 =	vld [tilespmem:s16+$0x0]  }
0x24: {  	v5 =	vld [tilespmem:s16+$0x30]  }
0x25: {  	v6 =	vld [tilespmem:s16+$0x40]  }
0x26: {  	v7 =	vld [tilespmem:s16+$0x27A0]  }
0x27: {  	v8 =	vld [tilespmem:s16+$0x2780]  }
0x28: {  	v9 =	vld [tilespmem:s16+$0x2790]  }
0x29: {  	v10 =	vld [tilespmem:s16+$0x27B0]  }
0x2a: {  	v1 =	vld [tilespmem:s16+$0x27C0]  }
0x2b: {  	v4 =	vld.idx.msk [tilespmem:v4+s9+$0x0], $0xffff  }
0x2c: {  	v3 =	vld.idx.msk [tilespmem:v3+s9+$0x0], $0xffff  }
0x2d: {  	v11 =	vld.idx.msk [tilespmem:v2+s9+$0x0], $0xffff  }
0x2e: {  	v5 =	vld.idx.msk [tilespmem:v5+s9+$0x0], $0xffff  }
0x2f: {  	v2 =	vld.idx.msk [tilespmem:v6+s9+$0x0], $0xffff  }
0x30: {  	[tilespmem:v8+s11+$0x0] =	vst.idx.add.f32.msk $0xffff, v4  }
0x31: {  	[tilespmem:v9+s11+$0x0] =	vst.idx.add.f32.msk $0xffff, v3  }
0x32: {  	[tilespmem:v7+s11+$0x0] =	vst.idx.add.f32.msk $0xffff, v11  }
0x33: {  	s16 =	simm.s32 $0x140;
	[tilespmem:v10+s11+$0x0] =	vst.idx.add.f32.msk $0xffff, v5  }
.LBB2_4:
0x34: {  	s17 =	sshra.s32 s16, $0x2;
	p0 =	sne.s32 s16, $0x9B00;
	s16 =	sadd.s32 $0x140, s16;
	[tilespmem:v1+s11+$0x0] =	vst.idx.add.f32.msk $0xffff, v2  }
0x35: {  	v2 =	vld [tilespmem:s17+$0x20]  }
0x36: {  	v3 =	vld [tilespmem:s17+$0x10]  }
0x37: {  	v4 =	vld [tilespmem:s17+$0x0]  }
0x38: {  	v5 =	vld [tilespmem:s17+$0x30]  }
0x39: {  	v6 =	vld [tilespmem:s17+$0x40]  }
0x3a: {  	v7 =	vld [tilespmem:s17+$0x27A0]  }
0x3b: {  	v8 =	vld [tilespmem:s17+$0x2780]  }
0x3c: {  	v9 =	vld [tilespmem:s17+$0x2790]  }
0x3d: {  	v10 =	vld [tilespmem:s17+$0x27B0]  }
0x3e: {  	v1 =	vld [tilespmem:s17+$0x27C0]  }
0x3f: {  	v4 =	vld.idx.msk [tilespmem:v4+s9+$0x0], $0xffff  }
0x40: {  	v3 =	vld.idx.msk [tilespmem:v3+s9+$0x0], $0xffff  }
0x41: {  	v11 =	vld.idx.msk [tilespmem:v2+s9+$0x0], $0xffff  }
0x42: {  	v5 =	vld.idx.msk [tilespmem:v5+s9+$0x0], $0xffff  }
0x43: {  	v2 =	vld.idx.msk [tilespmem:v6+s9+$0x0], $0xffff  }
.Ltmp1:
0x44: {  	(pc) =	sbr.rel @p0 .LBB2_4-.Ltmp1, $4  }
0x45: {  	[tilespmem:v8+s11+$0x0] =	vst.idx.add.f32.msk $0xffff, v4  }
0x46: {  	[tilespmem:v9+s11+$0x0] =	vst.idx.add.f32.msk $0xffff, v3  }
0x47: {  	[tilespmem:v7+s11+$0x0] =	vst.idx.add.f32.msk $0xffff, v11  }
0x48: {  	[tilespmem:v10+s11+$0x0] =	vst.idx.add.f32.msk $0xffff, v5  }
0x49: {  	_ =	sdelay $0x1  }
0x4a: {  	s15 =	sadd.s32 $0x1, s15  }
0x4b: {  	p0 =	sne.s32 s15, s7  }
.Ltmp2:
0x4c: {  	[tilespmem:v1+s11+$0x0] =	vst.idx.add.f32.msk $0xffff, v2;
	(pc) =	sbr.rel @p0 .LBB2_1-.Ltmp2, $4  }
0x4d: {  	[hbm4b:s6+s12] =	stream.strided.scatter [tilespmem:s11], [sflag:$0x2], $0x2780, s13, s12, $0x38;
	[tilespmem:$0x9E00] =	vst v63  }
0x4e: {  	_ =	swait.ge [sflag:s14], $0x2780  }
0x4f: {  	[sflag:s14] =	ssyncset.done $0x0  }
0x50: {  	[sflag:s14] =	ssyncadd.s32 $0xFFFFD880  }
0x51: {  	_ =	sfence.sel $0x180000  }
0x52: {  	[bflag:$0x0] =	sbarrier.arrive $0xFFFF  }
0x53: {  	p0 =	sne.s32 s1, $0x0;
	_ =	strace $0x9000004A  }
0x54: {  	s0 =	sadd.s32 @!p0 $0x100000, s0;
	[bflag:$0x2] =	sbarrier.arrive $0xFFFF  }
0x55: {  	[sflag:s0] =	ssyncadd.tile.s32 @!p0 $0x1;
	_ =	shalt  }
.Lfunc_end2:
_tile_overlayer_lowered:
.L_overlay_start_2:
0x56: {  	(tag) =	ssettag $0x2  }
0x57: {  	s0 =	rddreg [dreg:$0x0];
	s2 =	stileid.u32  }
0x58: {  	s1 =	rddreg [dreg:$0x1];
	p0 =	sne.s32 s2, $0x0  }
0x59: {  	s3 =	rddreg [dreg:$0x2];
	[bflag:$0x3] =	sbarrier.arrive $0xFFFF;
	s2 =	simm.s32 @!p0 $0x1C02  }
0x5a: {  	[timem:s3], [sflag:s2] =	dma.local @!p0 [hbm:s0], s1  }
0x5b: {  	s0 =	simm.s32 @!p0 $0x2  }
0x5c: {  	_ =	swait.ge @!p0 [sflag:s0], s1  }
0x5d: {  	s1 =	ssub.s32 @!p0 $0x0, s1;
	[sflag:s0] =	ssyncset.done @!p0 $0x0  }
0x5e: {  	[sflag:s0] =	ssyncadd.s32 @!p0 s1  }
0x5f: {  	[bflag:$0x3] =	sbarrier.arrive $0xFFFF  }
0x60: {  	_ =	shalt  }

// kernel: kernel.7.cloned.1.call-start
scs
__scs_entry_jumppad:
0x0: {  	(pc) =	sbr.rel $0x88, $3  }
0x1: {  	(tag) =	ssettag $0x0;
	lr =	simm.s32 $0x1  }
0x2: {  	[smem:$0x3F9D] =	sst lr;
	_ =	strace $0xD0000000  }
0x3: {  	_ = 	snop  }
0x4: {  	_ = 	snop  }
0x5: {  	_ = 	snop  }
0x6: {  	_ = 	snop  }
0x7: {  	_ = 	snop  }
__scs_overlays_trampoline_lowered:
0x8: {  	[smem:$0x3FAC] =	sst s0  }
0x9: {  	[smem:$0x3FAD] =	sst s1  }
0xa: {  	[smem:$0x3FAE] =	sst s2  }
0xb: {  	[smem:$0x3FAF] =	sst s3  }
0xc: {  	[smem:$0x3FB0] =	sst s4  }
0xd: {  	[smem:$0x3FB1] =	sst s5  }
0xe: {  	[smem:$0x3FB2] =	sst s6  }
0xf: {  	[smem:$0x3FB3] =	sst s7  }
0x10: {  	[smem:$0x3FB4] =	sst s8  }
0x11: {  	[smem:$0x3FB5] =	sst s9;
	s0 =	simm.s32 @!p0 $0x0  }
0x12: {  	s1 =	sld [smem:$0x3F9B];
	s0 =	simm.s32 @p0 $0x1  }
0x13: {  	[smem:$0x3FB6] =	sst s0;
	s0 =	simm.s32 @!p1 $0x0  }
0x14: {  	s2 =	sld [smem:$0x3F9A];
	s0 =	simm.s32 @p1 $0x1  }
0x15: {  	[smem:$0x3FB7] =	sst s0;
	s0 =	simm.s32 @!p2 $0x0  }
0x16: {  	s3 =	sld [smem:$0x3FDB];
	s0 =	simm.s32 @p2 $0x1  }
0x17: {  	s4 =	simm.s32 $0x1BF5;
	[smem:$0x3FB9] =	sst s0  }
0x18: {  	s0 =	sld [smem:$0x3F9C];
	_ =	swait.ge [sflag:s4], $0x0  }
0x19: {  	s7 =	sld [smem:$0x3F9D]  }
0x1a: {  	s8 =	sadd.s32 $0xFFFFE003, lr  }
0x1b: {  	s9 =	sadd.s32 $0xFFFFFEF7, lr;
	s5 =	simm.s32 $0xFFFFFFFF;
	p2 =	slt.u32 s8, $0xFFFFF086  }
0x1c: {  	p1 =	slt.u32 s9, $0xF7A;
	s5 =	simm.s32 @!p2 $0x0  }
0x1d: {  	s5 =	simm.s32 @p1 $0x1;
	p0 =	seq.s32 s7, s2  }
0x1e: {  	s7 =	smul.u32 @!p0 $0xF7A, s2;
	p2 =	seq.s32 @!p0 s5, $0x0  }
0x1f: {  	s9 =	smul.u32 $0xF7A, s1;
	s8 =	simm.s32 @!p0 $0x1BF5;
	p2 =	por !p2, p0  }
0x20: {  	[sflag:s8] =	ssyncset.s32 @!p0 $0xFFFFF086;
	s6 =	sadd.s32 @!p0 s3, s7;
	s7 =	simm.s32 @!p0 $0x108  }
0x21: {  	s3 =	sadd.s32 s3, s9;
	s6 =	sadd.s32 @!p0 $0x88, s6;
	s7 =	simm.s32 @p2 $0x1082  }
0x22: {  	[simem:s7], [sflag:s8] =	dma.local @!p0 [hbm:s6], $0xF7A  }
0x23: {  	s9 =	sor.u32 $0xD0000000, s2;
	s6 =	simm.s32 $0x108;
	_ =	swait.ge @!p0 [sflag:s8], $0x0  }
0x24: {  	s3 =	sadd.s32 $0x88, s3;
	s6 =	simm.s32 @!p1 $0x1082;
	[sflag:s4] =	ssyncset.s32 $0xFFFFF086  }
0x25: {  	[simem:s6], [sflag:s4] =	dma.local [hbm:s3], $0xF7A  }
0x26: {  	[smem:$0x3F9D] =	sst s1;
	(tag) =	ssettag s2;
	_ =	strace s9  }
0x27: {  	s1 =	sld [smem:$0x3FAD]  }
0x28: {  	s2 =	sld [smem:$0x3FAE]  }
0x29: {  	s4 =	sld [smem:$0x3FB0]  }
0x2a: {  	p0 =	seq.s32 s5, $0x0;
	s5 =	sld [smem:$0x3FB1]  }
0x2b: {  	s6 =	sld [smem:$0x3FB2]  }
0x2c: {  	s7 =	sld [smem:$0x3FB3]  }
0x2d: {  	s3 =	simm.s32 $0x108;
	s8 =	sld [smem:$0x3FB4]  }
0x2e: {  	s3 =	simm.s32 @!p0 $0x1082;
	s9 =	sld [smem:$0x3FB5]  }
0x2f: {  	lr =	sadd.s32 s0, s3;
	s0 =	sld [smem:$0x3FAC]  }
0x30: {  	s3 =	sld [smem:$0x3FAF]  }
0x31: {  	[smem:$0x3FB8] =	sst s10  }
0x32: {  	s10 =	sld [smem:$0x3FB6];
	_ =	sdelay $0x3  }
0x33: {  	p0 =	seq.s32 s10, $0x1;
	s10 =	sld [smem:$0x3FB8];
	_ =	sdelay $0x3  }
0x34: {  	[smem:$0x3FB8] =	sst s10  }
0x35: {  	s10 =	sld [smem:$0x3FB7];
	_ =	sdelay $0x3  }
0x36: {  	p1 =	seq.s32 s10, $0x1;
	s10 =	sld [smem:$0x3FB8];
	_ =	sdelay $0x3  }
0x37: {  	[smem:$0x3FB8] =	sst s10  }
0x38: {  	s10 =	sld [smem:$0x3FB9]  }
0x39: {  	_ = 	snop;
	(pc) =	sbr.ind lr, $3  }
0x3a: {  	_ = 	snop  }
0x3b: {  	_ = 	snop  }
0x3c: {  	p2 =	seq.s32 s10, $0x1;
	s10 =	sld [smem:$0x3FB8]  }
0x3d: {  	_ =	shalt  }
0x3e: {  	_ =	shalt  }
0x3f: {  	_ =	shalt  }
0x40: {  	_ =	shalt  }
0x41: {  	_ =	shalt  }
0x42: {  	_ =	shalt  }
0x43: {  	_ =	shalt  }
0x44: {  	_ =	shalt  }
0x45: {  	_ =	shalt  }
0x46: {  	_ =	shalt  }
0x47: {  	_ =	shalt  }
0x48: {  	_ =	shalt  }
0x49: {  	_ =	shalt  }
0x4a: {  	_ =	shalt  }
0x4b: {  	_ =	shalt  }
0x4c: {  	_ =	shalt  }
0x4d: {  	_ =	shalt  }
0x4e: {  	_ =	shalt  }
0x4f: {  	_ =	shalt  }
0x50: {  	_ =	shalt  }
0x51: {  	_ =	shalt  }
0x52: {  	_ =	shalt  }
0x53: {  	_ =	shalt  }
0x54: {  	_ =	shalt  }
0x55: {  	_ =	shalt  }
0x56: {  	_ =	shalt  }
0x57: {  	_ =	shalt  }
0x58: {  	_ =	shalt  }
0x59: {  	_ =	shalt  }
0x5a: {  	_ =	shalt  }
0x5b: {  	_ =	shalt  }
0x5c: {  	_ =	shalt  }
0x5d: {  	_ =	shalt  }
0x5e: {  	_ =	shalt  }
0x5f: {  	_ =	shalt  }
0x60: {  	_ =	shalt  }
0x61: {  	_ =	shalt  }
0x62: {  	_ =	shalt  }
0x63: {  	_ =	shalt  }
0x64: {  	_ =	shalt  }
0x65: {  	_ =	shalt  }
0x66: {  	_ =	shalt  }
0x67: {  	_ =	shalt  }
0x68: {  	_ =	shalt  }
0x69: {  	_ =	shalt  }
0x6a: {  	_ =	shalt  }
0x6b: {  	_ =	shalt  }
0x6c: {  	_ =	shalt  }
0x6d: {  	_ =	shalt  }
0x6e: {  	_ =	shalt  }
0x6f: {  	_ =	shalt  }
0x70: {  	_ =	shalt  }
0x71: {  	_ =	shalt  }
0x72: {  	_ =	shalt  }
0x73: {  	_ =	shalt  }
0x74: {  	_ =	shalt  }
0x75: {  	_ =	shalt  }
0x76: {  	_ =	shalt  }
0x77: {  	_ =	shalt  }
0x78: {  	_ =	shalt  }
0x79: {  	_ =	shalt  }
0x7a: {  	_ =	shalt  }
0x7b: {  	_ =	shalt  }
0x7c: {  	_ =	shalt  }
0x7d: {  	_ =	shalt  }
0x7e: {  	_ =	shalt  }
0x7f: {  	_ =	shalt  }
0x80: {  	_ =	shalt  }
0x81: {  	_ =	shalt  }
0x82: {  	_ =	shalt  }
0x83: {  	_ =	shalt  }
0x84: {  	_ =	shalt  }
0x85: {  	_ =	shalt  }
0x86: {  	_ =	shalt  }
0x87: {  	_ =	shalt  }
.Lfunc_end0:
.L_simem_size_0:
called_computation_lowered:
.L_overlay_start_0:
0x88: {  	s2 =	sld [smem:$0x3FD9]  }
0x89: {  	s3 =	sld [smem:$0x3FFE];
	_ =	sdelay $0x1  }
0x8a: {  	s1 =	srdreg.scid  }
0x8b: {  	s0 =	sand.u32 $0x1, s1  }
0x8c: {  	s16 =	sshll.u32 s0, $0xA;
	s2 =	sadd.s32 s3, s2  }
0x8d: {  	s2 =	sadd.s32 s2, s16  }
0x8e: {  	[smem:$0x3FC4] =	sst s2  }
0x8f: {  	_ = 	snop  }
0x90: {  	(tm) =	ssettm $0x1  }
0x91: {  	s17 =	sld [smem:$0x3FFB];
	_ =	sdelay $0x3  }
0x92: {  	_ =	strace s17  }
0x93: {  	s2 =	sld [smem:$0x3FFC];
	_ =	sdelay $0x3  }
0x94: {  	_ =	strace s2  }
0x95: {  	s2 =	sld [smem:$0x3FFD];
	_ =	sdelay $0x3  }
0x96: {  	_ =	strace s2  }
0x97: {  	_ =	strace $0x8FFFFFFF  }
0x98: {  	s18 =	sld [smem:$0x3FDB];
	_ =	sdelay $0x1  }
0x99: {  	s19 =	simm.s32 $_scs_section_size  }
0x9a: {  	s4 =	simm.s32 $_size__tile_overlayer_lowered;
	s5 =	simm.s32 $_tile_overlayer_lowered  }
0x9b: {  	s22 =	simm.s32 $0x1BFF;
	s21 =	sshll.u32 s5, $0x1;
	s2 =	sadd.s32 s19, s18  }
0x9c: {  	s6 =	simm.s32 $0x0;
	s20 =	sshll.u32 s4, $0x1;
	s4 =	sadd.s32 s21, s2  }
0x9d: {  	[timem:s6], [sflag:s22] =	dma.local [hbm:s4], s20  }
0x9e: {  	_ =	swait.ge [sflag:s22], s20  }
0x9f: {  	s3 =	ssub.s32 $0x0, s20;
	[sflag:s22] =	ssyncset.done $0x0  }
0xa0: {  	[sflag:s22] =	ssyncadd.s32 s3;
	_ =	sdelay $0x1  }
0xa1: {  	s23 =	simm.s32 $0x1B8B  }
0xa2: {  	_ =	swait.ge [sflag:s23], $0x1  }
0xa3: {  	[sflag:s23] =	ssyncset.done $0x0  }
0xa4: {  	s25 =	simm.s32 $0x1B8E;
	s24 =	sld [smem:$0x3FFE];
	[sflag:s23] =	ssyncadd.s32 $0xFFFFFFFF  }
0xa5: {  	s26 =	simm.s32 $execute0_lowered;
	[smem:$0x3FD2] =	sst s25  }
0xa6: {  	s4 =	sshll.u32 s26, $0x1;
	_ =	strace $0x80000046;
	[dreg:$0x1] =	wrdreg $0xFFFFFFFF  }
0xa7: {  	s28 =	simm.s32 $_size_execute0_lowered;
	s2 =	sadd.s32 s2, s4;
	[dreg:$0x0] =	wrdreg $0x0  }
0xa8: {  	s4 =	sshll.u32 s28, $0x1;
	[dreg:$0x2] =	wrdreg s2  }
0xa9: {  	[dreg:$0x3] =	wrdreg s4  }
0xaa: {  	[dreg:$0x4] =	wrdreg $0xC0  }
0xab: {  	_ =	task [dreg:s6], $0x5FFFF  }
0xac: {  	[dreg:$0x1] =	wrdreg $0xFFFFFFFF  }
0xad: {  	[dreg:$0x0] =	wrdreg $0x60  }
0xae: {  	[dreg:$0x2] =	wrdreg s24  }
0xaf: {  	[dreg:$0x3] =	wrdreg $0x9  }
0xb0: {  	_ =	task.clear_ibuf [dreg:s6], $0x4FFFF;
	_ =	strace $0x90000046  }
0xb1: {  	s29 =	simm.s32 $0x9;
	_ =	strace $0x80000048  }
0xb2: {  	_ =	swait.ge [sflag:s29], $0x1  }
0xb3: {  	[sflag:s29] =	ssyncadd.s32 $0xFFFFFFFF  }
0xb4: {  	_ =	strace $0x90000048  }
0xb5: {  	_ =	sfence  }
0xb6: {  	s30 =	sld [smem:$0x0];
	_ =	sdelay $0x2  }
0xb7: {  	s31 =	sshll.u32 s1, $0xD;
	s1 =	sshrl.u32 s1, $0x2  }
0xb8: {  	s3 =	sand.u32 $0x4000, s31;
	s1 =	sadd.s32 s1, s30  }
0xb9: {  	s0 =	sor.u32 s3, s0;
	s1 =	sshll.u32 s1, $0x11  }
0xba: {  	s0 =	sor.u32 s1, s0  }
0xbb: {  	s0 =	sadd.s32 $0x8F2B, s0  }
0xbc: {  	[sflag:s0] =	ssyncadd.remote.s32 $0x1  }
0xbd: {  	_ =	sfence.sel $0xFFFF  }
0xbe: {  	[dreg:$0x0] =	wrdreg $0xFFFFFFFF;
	(pc) =	sbr.abs _section_cstart, $3  }
0xbf: {  	[dreg:$0x1] =	wrdreg $0xFFFFFFFF  }
0xc0: {  	_ =	task.clear_ibuf [dreg:s6], $0x2FFFF;
	_ =	strace $0x9FFFFFFF  }
0xc1: {  	(tm) =	ssettm $0x7FFFFFFF  }
tec
execute0_lowered:
.L_overlay_start_1:
0x0: {  	(tag) =	ssettag $0x1  }
0x1: {  	s0 =	srdreg.scid;
	s4 =	rddreg [dreg:$0x0]  }
0x2: {  	s2 =	simm.s32 $0x0;
	s8 =	simm.s32 $0x80;
	s3 =	sand.u32 $0x1, s0  }
0x3: {  	s9 =	simm.s32 $0x400;
	s0 =	stileid.u32;
	s1 =	sshll.u32 s3, $0x4  }
0x4: {  	s10 =	simm.s32 $0x2;
	s11 =	simm.s32 $0x0;
	s5 =	sor.u32 s0, s1  }
0x5: {  	[smem:$0x7FF] =	sst s2;
	s6 =	sshrl.u32 s5, $0x3;
	s5 =	smul.u32 $0x2710, s5  }
0x6: {  	s7 =	sshll.u32 s0, $0x7;
	s3 =	ssub.s32 $0x2, s3;
	s6 =	smul.u32 $0x13C00, s6  }
0x7: {  	s1 =	rddreg [dreg:$0x1];
	s7 =	sand.u32 $0x380, s7;
	_ =	strace $0x80000047  }
0x8: {  	s30 =	sshrl.u32 s3, $0x1;
	s5 =	sshrl.u32 s5, $0x3;
	s6 =	sor.u32 s7, s6  }
0x9: {  	s7 =	ssub.s32 s3, s30;
	s31 =	sadd.s32 s4, s5;
	s6 =	sshrl.u32 s6, $0x3  }
0xa: {  	s3 =	sadd.s32 $0xB840, s31;
	s5 =	smax.u32 s7, $0x1;
	s6 =	sadd.s32 s6, s4  }
0xb: {  	v0 =	vimm.f32 $0.0e+00;
	v1 =	vimm.f32 $1.000000000e+00;
	s7 =	simm.s32 $0x2780;
	s4 =	sadd.s32 $0x15600, s6;
	s6 =	simm.s32 $0x1  }
.LBB2_1:
0xc: {  	[tilespmem:s2], [sflag:$0x1] =	stream.linear.gather [hbm4b:s3+s2], $0x2710, $0x38;
	[tilespmem:$0x4F80] =	vst v63  }
0xd: {  	s12 =	simm.s32 $0x40;
	s13 =	simm.s32 $0x0  }
.LBB2_2:
0xe: {  	p0 =	sne.s32 s12, $0x9C00;
	[tilespmem:s13+$0x2780] =	vst v0;
	s13 =	smov.u32 s12;
	s12 =	sadd.s32 $0x40, s12  }
.Ltmp0:
0xf: {  	(pc) =	sbr.rel @p0 .LBB2_2-.Ltmp0, $2  }
0x10: {  	_ =	sdelay $0x2  }
0x11: {  	s13 =	sshra.s32 s13, $0x2  }
0x12: {  	[tilespmem:s13+$0x2780] =	vst v0  }
0x13: {  	[tilespmem:$0x4F00] =	vst v1  }
0x14: {  	_ =	swait.ge [sflag:s6], $0x2710  }
0x15: {  	[sflag:s6] =	ssyncset.done $0x0  }
0x16: {  	s12 =	simm.s32 $0xC0;
	[sflag:s6] =	ssyncadd.s32 $0xFFFFD8F0  }
0x17: {  	v4 =	vld [tilespmem:s12+$0xB0]  }
0x18: {  	v5 =	vld [tilespmem:s12+$0xA0]  }
0x19: {  	v6 =	vld [tilespmem:s12+$0x90]  }
0x1a: {  	v7 =	vld [tilespmem:s12+$0x30]  }
0x1b: {  	v8 =	vld [tilespmem:s12+$0x80]  }
0x1c: {  	v9 =	vld [tilespmem:s12+$0x70]  }
0x1d: {  	s31 =	simm.s32 $0x0;
	v10 =	vld [tilespmem:s12+$0x60]  }
0x1e: {  	s13 =	sand.u32 $0x3FF0, s31;
	v11 =	vld [tilespmem:s12+$0x50]  }
0x1f: {  	v12 =	vld [tilespmem:s13+$0x100]  }
0x20: {  	v2 =	vld [tilespmem:s13+$0x180]  }
0x21: {  	v13 =	vld [tilespmem:s12+$0x20]  }
0x22: {  	v14 =	vld [tilespmem:s12+$0x10]  }
0x23: {  	v15 =	vld [tilespmem:s12+$0x0]  }
0x24: {  	v16 =	vld [tilespmem:s12+$0xFFFFFFF0]  }
0x25: {  	v17 =	vld [tilespmem:s12+$0xFFFFFFE0]  }
0x26: {  	v18 =	vld [tilespmem:s12+$0xFFFFFFD0]  }
0x27: {  	v19 =	vld [tilespmem:s13+$0x80]  }
0x28: {  	v3 =	vld [tilespmem:$0x4F00]  }
0x29: {  	v20 =	vld [tilespmem:s12+$0xFFFFFF40]  }
0x2a: {  	v21 =	vld [tilespmem:s12+$0xFFFFFF50]  }
0x2b: {  	v22 =	vld [tilespmem:s12+$0xFFFFFF60]  }
0x2c: {  	v23 =	vld [tilespmem:s12+$0xFFFFFF70]  }
0x2d: {  	v24 =	vld [tilespmem:s12+$0xFFFFFF80]  }
0x2e: {  	v25 =	vld [tilespmem:s12+$0xFFFFFF90]  }
0x2f: {  	v26 =	vld [tilespmem:s12+$0xFFFFFFA0]  }
0x30: {  	v27 =	vld [tilespmem:s12+$0xFFFFFFB0]  }
0x31: {  	[tilespmem:v20+s7+$0x0] =	vst.idx.add.f32.msk $0xffff, v3  }
0x32: {  	[tilespmem:v21+s7+$0x0] =	vst.idx.add.f32.msk $0xffff, v3  }
0x33: {  	[tilespmem:v22+s7+$0x0] =	vst.idx.add.f32.msk $0xffff, v3  }
0x34: {  	[tilespmem:v23+s7+$0x0] =	vst.idx.add.f32.msk $0xffff, v3  }
0x35: {  	[tilespmem:v24+s7+$0x0] =	vst.idx.add.f32.msk $0xffff, v3  }
0x36: {  	[tilespmem:v25+s7+$0x0] =	vst.idx.add.f32.msk $0xffff, v3  }
0x37: {  	[tilespmem:v26+s7+$0x0] =	vst.idx.add.f32.msk $0xffff, v3  }
0x38: {  	[tilespmem:v27+s7+$0x0] =	vst.idx.add.f32.msk $0xffff, v3  }
0x39: {  	[tilespmem:v19+s7+$0x0] =	vst.idx.add.f32.msk $0xffff, v3  }
0x3a: {  	[tilespmem:v18+s7+$0x0] =	vst.idx.add.f32.msk $0xffff, v3  }
0x3b: {  	[tilespmem:v17+s7+$0x0] =	vst.idx.add.f32.msk $0xffff, v3  }
0x3c: {  	[tilespmem:v16+s7+$0x0] =	vst.idx.add.f32.msk $0xffff, v3  }
0x3d: {  	[tilespmem:v15+s7+$0x0] =	vst.idx.add.f32.msk $0xffff, v3  }
0x3e: {  	[tilespmem:v14+s7+$0x0] =	vst.idx.add.f32.msk $0xffff, v3  }
0x3f: {  	[tilespmem:v13+s7+$0x0] =	vst.idx.add.f32.msk $0xffff, v3  }
0x40: {  	[tilespmem:v7+s7+$0x0] =	vst.idx.add.f32.msk $0xffff, v3  }
0x41: {  	[tilespmem:v12+s7+$0x0] =	vst.idx.add.f32.msk $0xffff, v3  }
0x42: {  	[tilespmem:v11+s7+$0x0] =	vst.idx.add.f32.msk $0xffff, v3  }
0x43: {  	[tilespmem:v10+s7+$0x0] =	vst.idx.add.f32.msk $0xffff, v3  }
0x44: {  	[tilespmem:v9+s7+$0x0] =	vst.idx.add.f32.msk $0xffff, v3  }
0x45: {  	[tilespmem:v8+s7+$0x0] =	vst.idx.add.f32.msk $0xffff, v3  }
0x46: {  	[tilespmem:v6+s7+$0x0] =	vst.idx.add.f32.msk $0xffff, v3  }
0x47: {  	[tilespmem:v5+s7+$0x0] =	vst.idx.add.f32.msk $0xffff, v3  }
0x48: {  	s13 =	simm.s32 $0x190;
	[tilespmem:v4+s7+$0x0] =	vst.idx.add.f32.msk $0xffff, v3  }
.LBB2_4:
0x49: {  	p0 =	sne.s32 s13, $0x2580  }
0x4a: {  	[tilespmem:v2+s7+$0x0] =	vst.idx.add.f32.msk $0xffff, v3;
	s12 =	sadd.s32 $0x190, s12;
	s14 =	smov.u32 s13;
	s13 =	sadd.s32 $0x190, s13  }
0x4b: {  	v4 =	vld [tilespmem:s12+$0xB0]  }
0x4c: {  	v5 =	vld [tilespmem:s12+$0xA0]  }
0x4d: {  	v6 =	vld [tilespmem:s12+$0x90]  }
0x4e: {  	v7 =	vld [tilespmem:s12+$0x30]  }
0x4f: {  	v8 =	vld [tilespmem:s12+$0x80]  }
0x50: {  	v9 =	vld [tilespmem:s12+$0x70]  }
0x51: {  	v10 =	vld [tilespmem:s12+$0x60]  }
0x52: {  	s14 =	sand.u32 $0x3FF0, s14;
	v11 =	vld [tilespmem:s12+$0x50]  }
0x53: {  	v12 =	vld [tilespmem:s14+$0x100]  }
0x54: {  	v2 =	vld [tilespmem:s14+$0x180]  }
0x55: {  	v13 =	vld [tilespmem:s12+$0x20]  }
0x56: {  	v14 =	vld [tilespmem:s12+$0x10]  }
0x57: {  	v15 =	vld [tilespmem:s12+$0x0]  }
0x58: {  	v16 =	vld [tilespmem:s12+$0xFFFFFFF0]  }
0x59: {  	v17 =	vld [tilespmem:s12+$0xFFFFFFE0]  }
0x5a: {  	v18 =	vld [tilespmem:s12+$0xFFFFFFD0]  }
0x5b: {  	v19 =	vld [tilespmem:s14+$0x80]  }
0x5c: {  	v3 =	vld [tilespmem:$0x4F00]  }
0x5d: {  	v20 =	vld [tilespmem:s12+$0xFFFFFF40]  }
0x5e: {  	v21 =	vld [tilespmem:s12+$0xFFFFFF50]  }
0x5f: {  	v22 =	vld [tilespmem:s12+$0xFFFFFF60]  }
0x60: {  	v23 =	vld [tilespmem:s12+$0xFFFFFF70]  }
0x61: {  	v24 =	vld [tilespmem:s12+$0xFFFFFF80]  }
0x62: {  	v25 =	vld [tilespmem:s12+$0xFFFFFF90]  }
0x63: {  	v26 =	vld [tilespmem:s12+$0xFFFFFFA0]  }
0x64: {  	v27 =	vld [tilespmem:s12+$0xFFFFFFB0]  }
0x65: {  	[tilespmem:v20+s7+$0x0] =	vst.idx.add.f32.msk $0xffff, v3  }
0x66: {  	[tilespmem:v21+s7+$0x0] =	vst.idx.add.f32.msk $0xffff, v3  }
0x67: {  	[tilespmem:v22+s7+$0x0] =	vst.idx.add.f32.msk $0xffff, v3  }
0x68: {  	[tilespmem:v23+s7+$0x0] =	vst.idx.add.f32.msk $0xffff, v3  }
0x69: {  	[tilespmem:v24+s7+$0x0] =	vst.idx.add.f32.msk $0xffff, v3  }
0x6a: {  	[tilespmem:v25+s7+$0x0] =	vst.idx.add.f32.msk $0xffff, v3  }
0x6b: {  	[tilespmem:v26+s7+$0x0] =	vst.idx.add.f32.msk $0xffff, v3  }
0x6c: {  	[tilespmem:v27+s7+$0x0] =	vst.idx.add.f32.msk $0xffff, v3  }
0x6d: {  	[tilespmem:v19+s7+$0x0] =	vst.idx.add.f32.msk $0xffff, v3  }
0x6e: {  	[tilespmem:v18+s7+$0x0] =	vst.idx.add.f32.msk $0xffff, v3  }
0x6f: {  	[tilespmem:v17+s7+$0x0] =	vst.idx.add.f32.msk $0xffff, v3  }
0x70: {  	[tilespmem:v16+s7+$0x0] =	vst.idx.add.f32.msk $0xffff, v3  }
0x71: {  	[tilespmem:v15+s7+$0x0] =	vst.idx.add.f32.msk $0xffff, v3  }
0x72: {  	[tilespmem:v14+s7+$0x0] =	vst.idx.add.f32.msk $0xffff, v3  }
0x73: {  	[tilespmem:v13+s7+$0x0] =	vst.idx.add.f32.msk $0xffff, v3  }
0x74: {  	[tilespmem:v7+s7+$0x0] =	vst.idx.add.f32.msk $0xffff, v3  }
0x75: {  	[tilespmem:v12+s7+$0x0] =	vst.idx.add.f32.msk $0xffff, v3  }
0x76: {  	[tilespmem:v11+s7+$0x0] =	vst.idx.add.f32.msk $0xffff, v3  }
0x77: {  	[tilespmem:v10+s7+$0x0] =	vst.idx.add.f32.msk $0xffff, v3  }
.Ltmp1:
0x78: {  	[tilespmem:v9+s7+$0x0] =	vst.idx.add.f32.msk $0xffff, v3;
	(pc) =	sbr.rel @p0 .LBB2_4-.Ltmp1, $4  }
0x79: {  	[tilespmem:v8+s7+$0x0] =	vst.idx.add.f32.msk $0xffff, v3  }
0x7a: {  	[tilespmem:v6+s7+$0x0] =	vst.idx.add.f32.msk $0xffff, v3  }
0x7b: {  	[tilespmem:v5+s7+$0x0] =	vst.idx.add.f32.msk $0xffff, v3  }
0x7c: {  	[tilespmem:v4+s7+$0x0] =	vst.idx.add.f32.msk $0xffff, v3  }
0x7d: {  	_ =	sdelay $0x1  }
0x7e: {  	s11 =	sadd.s32 $0x1, s11  }
0x7f: {  	p0 =	sne.s32 s11, s5  }
.Ltmp2:
0x80: {  	[tilespmem:v2+s7+$0x0] =	vst.idx.add.f32.msk $0xffff, v3;
	(pc) =	sbr.rel @p0 .LBB2_1-.Ltmp2, $4  }
0x81: {  	[hbm4b:s4+s8] =	stream.strided.scatter [tilespmem:s7], [sflag:$0x2], $0x2780, s9, s8, $0x38;
	[tilespmem:$0x4F80] =	vst v63  }
0x82: {  	_ =	swait.ge [sflag:s10], $0x2780  }
0x83: {  	[sflag:s10] =	ssyncset.done $0x0  }
0x84: {  	[sflag:s10] =	ssyncadd.s32 $0xFFFFD880  }
0x85: {  	_ =	sfence.sel $0x180000  }
0x86: {  	[bflag:$0x0] =	sbarrier.arrive $0xFFFF  }
0x87: {  	p0 =	sne.s32 s0, $0x0;
	_ =	strace $0x90000047  }
0x88: {  	s0 =	sadd.s32 @!p0 $0x100000, s1;
	[bflag:$0x2] =	sbarrier.arrive $0xFFFF  }
0x89: {  	[sflag:s0] =	ssyncadd.tile.s32 @!p0 $0x1;
	_ =	shalt  }
.Lfunc_end2:
_tile_overlayer_lowered:
.L_overlay_start_2:
0x8a: {  	(tag) =	ssettag $0x2  }
0x8b: {  	s0 =	rddreg [dreg:$0x0];
	s2 =	stileid.u32  }
0x8c: {  	s1 =	rddreg [dreg:$0x1];
	p0 =	sne.s32 s2, $0x0  }
0x8d: {  	s3 =	rddreg [dreg:$0x2];
	[bflag:$0x3] =	sbarrier.arrive $0xFFFF;
	s2 =	simm.s32 @!p0 $0x1C02  }
0x8e: {  	[timem:s3], [sflag:s2] =	dma.local @!p0 [hbm:s0], s1  }
0x8f: {  	s0 =	simm.s32 @!p0 $0x2  }
0x90: {  	_ =	swait.ge @!p0 [sflag:s0], s1  }
0x91: {  	s1 =	ssub.s32 @!p0 $0x0, s1;
	[sflag:s0] =	ssyncset.done @!p0 $0x0  }
0x92: {  	[sflag:s0] =	ssyncadd.s32 @!p0 s1  }
0x93: {  	[bflag:$0x3] =	sbarrier.arrive $0xFFFF  }
0x94: {  	_ =	shalt  }

</sc_bundles>
